<compile_context>
chip_gen: v7x
topology: tpu7x:2x2x1
jax: 0.10.2.dev20260603
libtpu: 0.0.44.dev20260713+nightly
codegen_flags: <defaults>
</compile_context>

<pallas_src>
import functools
import math

import jax
import jax.numpy as jnp
from jax import lax
from jax.experimental import pallas as pl
from jax.experimental.pallas import tpu as pltpu
from jax.experimental.pallas import tpu_sc as plsc

_SIZE = 1000
_SMOOTH = 0.1
_CONF = 1.0 - _SMOOTH
_EPS = _SMOOTH / (_SIZE - 2)
_C = _CONF * math.log(_CONF) + (_SIZE - 2) * _EPS * math.log(_EPS)

_N = 16384
_N_SC = 4096
_N_TC = _N - _N_SC
_BM = 1024

_NW = 32
_RW = _N_SC // _NW
_GR = 16
_NG = _RW // _GR
_GE = _GR * _SIZE


def _sc_body(x_hbm, t_hbm, s_out, p_out, xb0, xb1, tb0, tb1, sbuf, pbuf,
             sx0, sx1, st0, st1):
    wid = lax.axis_index("s") * 2 + lax.axis_index("c")
    base = wid * _RW * _SIZE

    def grp_start(g):
        return base + g * _GE

    pltpu.async_copy(x_hbm.at[pl.ds(grp_start(0), _GE)], xb0, sx0)
    pltpu.async_copy(t_hbm.at[pl.ds(grp_start(0), _GE)], tb0, st0)
    pltpu.async_copy(x_hbm.at[pl.ds(grp_start(1), _GE)], xb1, sx1)
    pltpu.async_copy(t_hbm.at[pl.ds(grp_start(1), _GE)], tb1, st1)

    idx_base = lax.iota(jnp.int32, 16) * _SIZE
    neg_inf = jnp.full((16,), -jnp.inf, dtype=jnp.float32)
    zeros = jnp.zeros((16,), dtype=jnp.float32)

    def process(xb, tb, g, pacc):
        def body(j, carry):
            idx, accs = carry
            for k in range(8):
                idx_k = idx + k
                xc = plsc.load_gather(xb, [idx_k])
                tc = plsc.load_gather(tb, [idx_k])
                tmax, xsel, sumx, sexp = accs[k % 4]
                better = tc > tmax
                tmax = jnp.maximum(tmax, tc)
                xsel = jnp.where(better, xc, xsel)
                sumx = sumx + xc
                sexp = sexp + jnp.exp(xc)
                accs[k % 4] = (tmax, xsel, sumx, sexp)
            return (idx + 8, accs)

        init = (idx_base, [(neg_inf, zeros, zeros, zeros)] * 4)
        _, accs = lax.fori_loop(0, _SIZE // 8, body, init)

        def merge(a, b):
            ta, xa, sa, ea = a
            tb_, xb_, sb_, eb_ = b
            bet = tb_ > ta
            return (jnp.maximum(ta, tb_), jnp.where(bet, xb_, xa),
                    sa + sb_, ea + eb_)

        tmax, xsel, sumx, sexp = merge(merge(accs[0], accs[1]),
                                       merge(accs[2], accs[3]))

        x0 = plsc.load_gather(xb, [idx_base])
        t0 = plsc.load_gather(tb, [idx_base])
        pad = t0 >= tmax
        lin = _C - _CONF * xsel - _EPS * (sumx - x0 - xsel)
        pacc = pacc + jnp.where(pad, 0.0, lin)
        s_vec = jnp.where(pad, 1.0, sexp)
        sbuf[pl.ds(g * _GR, _GR)] = s_vec
        return pacc

    def outer(i, pacc):
        for b in range(2):
            g = i * 2 + b
            xb = xb0 if b == 0 else xb1
            tb = tb0 if b == 0 else tb1
            sx = sx0 if b == 0 else sx1
            st = st0 if b == 0 else st1
            pltpu.make_async_copy(x_hbm.at[pl.ds(0, _GE)], xb, sx).wait()
            pltpu.make_async_copy(t_hbm.at[pl.ds(0, _GE)], tb, st).wait()
            pacc = process(xb, tb, g, pacc)

            @pl.when(g + 2 < _NG)
            def _():
                nxt = grp_start(g + 2)
                pltpu.async_copy(x_hbm.at[pl.ds(nxt, _GE)], xb, sx)
                pltpu.async_copy(t_hbm.at[pl.ds(nxt, _GE)], tb, st)

        return pacc

    pacc = lax.fori_loop(0, _NG // 2, outer, zeros)
    pbuf[...] = pacc
    pltpu.sync_copy(sbuf, s_out.at[pl.ds(wid * _RW, _RW)])
    pltpu.sync_copy(pbuf, p_out.at[pl.ds(wid * 16, 16)])


def _tc_body(x_ref, t_ref, out_ref):
    i = pl.program_id(0)
    x = x_ref[...]
    t = t_ref[...]

    sexp = jnp.sum(jnp.exp(x), axis=1)
    lse = jnp.log(sexp)
    sumx = jnp.sum(x, axis=1)
    x0 = x[:, 0]

    tmax = jnp.max(t, axis=1, keepdims=True)
    hit = t == tmax
    xt = jnp.sum(jnp.where(hit, x, 0.0), axis=1)
    pad = hit[:, 0]

    lin = _C - _CONF * xt - _EPS * (sumx - x0 - xt)
    kl = jnp.where(pad, 0.0, lse + lin)
    part = jnp.sum(kl)

    @pl.when(i == 0)
    def _():
        out_ref[0, 0] = 0.0

    out_ref[0, 0] += part


def _finish_body(s_ref, p_ref, tc_ref, out_ref):
    total = jnp.sum(jnp.log(s_ref[...])) + jnp.sum(p_ref[...])
    out_ref[0, 0] = total + tc_ref[0, 0]


@jax.jit
def kernel(x, target):
    x2 = x.reshape(-1, _SIZE)
    t2 = target.reshape(-1, _SIZE)
    xs = x2[_N_TC:].reshape(-1)
    ts = t2[_N_TC:].reshape(-1)

    mesh = plsc.VectorSubcoreMesh(core_axis_name="c", subcore_axis_name="s")
    sc = functools.partial(
        pl.kernel,
        mesh=mesh,
        compiler_params=pltpu.CompilerParams(needs_layout_passes=False),
        out_type=[
            jax.ShapeDtypeStruct((_N_SC,), jnp.float32),
            jax.ShapeDtypeStruct((_NW * 16,), jnp.float32),
        ],
        scratch_types=[
            pltpu.VMEM((_GE,), jnp.float32),
            pltpu.VMEM((_GE,), jnp.float32),
            pltpu.VMEM((_GE,), jnp.float32),
            pltpu.VMEM((_GE,), jnp.float32),
            pltpu.VMEM((_RW,), jnp.float32),
            pltpu.VMEM((16,), jnp.float32),
            pltpu.SemaphoreType.DMA,
            pltpu.SemaphoreType.DMA,
            pltpu.SemaphoreType.DMA,
            pltpu.SemaphoreType.DMA,
        ],
    )(_sc_body)
    s, p = sc(xs, ts)

    tc_part = pl.pallas_call(
        _tc_body,
        grid=(_N_TC // _BM,),
        in_specs=[
            pl.BlockSpec((_BM, _SIZE), lambda i: (i, 0)),
            pl.BlockSpec((_BM, _SIZE), lambda i: (i, 0)),
        ],
        out_specs=pl.BlockSpec(
            (1, 1), lambda i: (0, 0), memory_space=pltpu.SMEM
        ),
        out_shape=jax.ShapeDtypeStruct((1, 1), jnp.float32),
    )(x2, t2)

    out = pl.pallas_call(
        _finish_body,
        in_specs=[
            pl.BlockSpec((32, 128), lambda: (0, 0)),
            pl.BlockSpec((4, 128), lambda: (0, 0)),
            pl.BlockSpec((1, 1), lambda: (0, 0), memory_space=pltpu.SMEM),
        ],
        out_specs=pl.BlockSpec((1, 1), lambda: (0, 0), memory_space=pltpu.SMEM),
        out_shape=jax.ShapeDtypeStruct((1, 1), jnp.float32),
    )(s.reshape(32, 128), p.reshape(4, 128), tc_part)
    return out[0, 0] / _N

# --- scband reference (transcript-rebuilt; emitter-appended) ---
"""Pipeline reference for scband-label-smoothing-loss-26405458936231 (READ-ONLY COPY).

The authoritative reference and input builder live on the scoring server;
editing this copy changes nothing except your own understanding.
"""

import jax, jax.numpy as jnp
import numpy as np

SIZE = 1000
PADDING_IDX = 0
SMOOTHING = 0.1
CONFIDENCE = 1.0 - SMOOTHING


def setup_inputs(seed: int = 0) -> dict:
    key = jax.random.key(seed)
    k1, k2 = jax.random.split(key)
    x = jax.random.normal(k1, (16384, 1000), dtype=jnp.float32)
    target = jax.random.normal(k2, (16384, 1000), dtype=jnp.float32)
    return {"x": x, "target": target}


def reference(x, target):
    x = x.reshape(-1, SIZE)
    target = target.reshape(-1, SIZE)
    logp = jax.nn.log_softmax(x, axis=-1)
    tgt_idx = jnp.argmax(target, axis=-1)
    n = logp.shape[0]
    true_dist = jnp.full((n, SIZE), SMOOTHING / (SIZE - 2), dtype=logp.dtype)
    true_dist = true_dist.at[jnp.arange(n), tgt_idx].set(CONFIDENCE)
    true_dist = true_dist.at[:, PADDING_IDX].set(0.0)
    pad_mask = (tgt_idx == PADDING_IDX)
    true_dist = jnp.where(pad_mask[:, None], 0.0, true_dist)
    # torch KLDivLoss(reduction='batchmean'): sum(xlogy(t, t) - t * logp) / n
    xlogy = jnp.where(true_dist > 0, true_dist * jnp.log(true_dist), 0.0)
    kl = xlogy - true_dist * logp
    return jnp.sum(kl) / n

if __name__ == "__main__":
    import jax
    _d = setup_inputs()
    print(jax.jit(kernel)(*tuple(_d.values())))

</pallas_src>

<mosaic_0001>
#map = affine_map<(d0, d1) -> (0)>
module attributes {stable_mosaic.version = 14 : i64} {
  func.func @_sc_body(%arg0: i32, %arg1: i32, %arg2: memref<4096000xf32, #tpu.memory_space<hbm>>, %arg3: memref<4096000xf32, #tpu.memory_space<hbm>>, %arg4: memref<4096xf32, #tpu.memory_space<hbm>>, %arg5: memref<512xf32, #tpu.memory_space<hbm>>, %arg6: memref<16000xf32, #tpu.memory_space<vmem>>, %arg7: memref<16000xf32, #tpu.memory_space<vmem>>, %arg8: memref<16000xf32, #tpu.memory_space<vmem>>, %arg9: memref<16000xf32, #tpu.memory_space<vmem>>, %arg10: memref<128xf32, #tpu.memory_space<vmem>>, %arg11: memref<16xf32, #tpu.memory_space<vmem>>, %arg12: memref<!tpu.dma_semaphore, #tpu.memory_space<semaphore_mem>>, %arg13: memref<!tpu.dma_semaphore, #tpu.memory_space<semaphore_mem>>, %arg14: memref<!tpu.dma_semaphore, #tpu.memory_space<semaphore_mem>>, %arg15: memref<!tpu.dma_semaphore, #tpu.memory_space<semaphore_mem>>) attributes {dimension_semantics = [#tpu.dimension_semantics<core_parallel>, #tpu.dimension_semantics<subcore_parallel>], iteration_bounds = array<i64: 2, 16>, scalar_prefetch = 0 : i64, scratch_operands = 10 : i64, tpu.core_type = #tpu.core_type<sc_vector_subcore>, window_params = [{transform_indices = #map}, {transform_indices = #map}, {transform_indices = #map}, {transform_indices = #map}]} {
    %mul3A = arith.constant 2 : i32
    %mul3A_0 = arith.muli %arg1, %mul3A : i32
    %add3A = arith.addi %mul3A_0, %arg0 : i32
    %mul3A_1 = arith.constant 128 : i32
    %mul3A_2 = arith.muli %add3A, %mul3A_1 : i32
    %mul3A_3 = arith.constant 1000 : i32
    %mul3A_4 = arith.muli %mul3A_2, %mul3A_3 : i32
    %add3A_5 = arith.constant 0 : i32
    %add3A_6 = arith.addi %mul3A_4, %add3A_5 : i32
    %dma_start3A = tpu.memref_slice %arg2[%add3A_6] : memref<4096000xf32, #tpu.memory_space<hbm>> -> memref<16000xf32, #tpu.memory_space<hbm>>
    %dma_start3A_7 = tpu.memref_slice %arg2[%add3A_6] : memref<4096000xf32, #tpu.memory_space<hbm>> -> memref<16000xf32, #tpu.memory_space<hbm>>
    tpu.enqueue_dma source(%dma_start3A_7 : memref<16000xf32, #tpu.memory_space<hbm>>) target(%arg6 : memref<16000xf32, #tpu.memory_space<vmem>>) target_semaphore(%arg12 : memref<!tpu.dma_semaphore, #tpu.memory_space<semaphore_mem>>)
    %add3A_8 = arith.constant 0 : i32
    %add3A_9 = arith.addi %mul3A_4, %add3A_8 : i32
    %dma_start3A_10 = tpu.memref_slice %arg3[%add3A_9] : memref<4096000xf32, #tpu.memory_space<hbm>> -> memref<16000xf32, #tpu.memory_space<hbm>>
    %dma_start3A_11 = tpu.memref_slice %arg3[%add3A_9] : memref<4096000xf32, #tpu.memory_space<hbm>> -> memref<16000xf32, #tpu.memory_space<hbm>>
    tpu.enqueue_dma source(%dma_start3A_11 : memref<16000xf32, #tpu.memory_space<hbm>>) target(%arg8 : memref<16000xf32, #tpu.memory_space<vmem>>) target_semaphore(%arg14 : memref<!tpu.dma_semaphore, #tpu.memory_space<semaphore_mem>>)
    %add3A_12 = arith.constant 16000 : i32
    %add3A_13 = arith.addi %mul3A_4, %add3A_12 : i32
    %dma_start3A_14 = tpu.memref_slice %arg2[%add3A_13] : memref<4096000xf32, #tpu.memory_space<hbm>> -> memref<16000xf32, #tpu.memory_space<hbm>>
    %dma_start3A_15 = tpu.memref_slice %arg2[%add3A_13] : memref<4096000xf32, #tpu.memory_space<hbm>> -> memref<16000xf32, #tpu.memory_space<hbm>>
    tpu.enqueue_dma source(%dma_start3A_15 : memref<16000xf32, #tpu.memory_space<hbm>>) target(%arg7 : memref<16000xf32, #tpu.memory_space<vmem>>) target_semaphore(%arg13 : memref<!tpu.dma_semaphore, #tpu.memory_space<semaphore_mem>>)
    %add3A_16 = arith.constant 16000 : i32
    %add3A_17 = arith.addi %mul3A_4, %add3A_16 : i32
    %dma_start3A_18 = tpu.memref_slice %arg3[%add3A_17] : memref<4096000xf32, #tpu.memory_space<hbm>> -> memref<16000xf32, #tpu.memory_space<hbm>>
    %dma_start3A_19 = tpu.memref_slice %arg3[%add3A_17] : memref<4096000xf32, #tpu.memory_space<hbm>> -> memref<16000xf32, #tpu.memory_space<hbm>>
    tpu.enqueue_dma source(%dma_start3A_19 : memref<16000xf32, #tpu.memory_space<hbm>>) target(%arg9 : memref<16000xf32, #tpu.memory_space<vmem>>) target_semaphore(%arg15 : memref<!tpu.dma_semaphore, #tpu.memory_space<semaphore_mem>>)
    %iota3A = tpu.iota {dimensions = array<i32: 0>} : vector<16xi32>
    %mul3A_20 = arith.constant 1000 : i32
    %mul3A_21 = vector.broadcast %mul3A_20 : i32 to vector<16xi32>
    %mul3A_22 = arith.muli %iota3A, %mul3A_21 : vector<16xi32>
    %broadcast_in_dim3A = arith.constant 0xFF800000 : f32
    %broadcast_in_dim3A_23 = vector.broadcast %broadcast_in_dim3A : f32 to vector<16xf32>
    %broadcast_in_dim3A_24 = arith.constant 0.000000e+00 : f32
    %broadcast_in_dim3A_25 = vector.broadcast %broadcast_in_dim3A_24 : f32 to vector<16xf32>
    %scan3A = arith.constant 0 : i32
    %scan3A_26 = arith.constant 4 : i32
    %scan3A_27 = arith.addi %scan3A, %scan3A_26 : i32
    %scan3A_28 = arith.constant 1 : i32
    %scan3A_29 = scf.for %scan3A_36 = %scan3A to %scan3A_27 step %scan3A_28 iter_args(%scan3A_37 = %broadcast_in_dim3A_25) -> (vector<16xf32>)  : i32 {
      %mul3A_38 = arith.constant 2 : i32
      %mul3A_39 = arith.muli %scan3A_36, %mul3A_38 : i32
      %add3A_40 = arith.constant 0 : i32
      %add3A_41 = arith.addi %mul3A_39, %add3A_40 : i32
      %dma_wait3A = arith.constant 0 : i32
      %dma_wait3A_42 = tpu.memref_slice %arg2[%dma_wait3A] : memref<4096000xf32, #tpu.memory_space<hbm>> -> memref<16000xf32, #tpu.memory_space<hbm>>
      %dma_wait3A_43 = arith.constant 0 : i32
      %dma_wait3A_44 = tpu.memref_slice %arg2[%dma_wait3A_43] : memref<4096000xf32, #tpu.memory_space<hbm>> -> memref<16000xf32, #tpu.memory_space<hbm>>
      tpu.wait_dma2 semaphore(%arg12 : memref<!tpu.dma_semaphore, #tpu.memory_space<semaphore_mem>>) src(%dma_wait3A_44 : memref<16000xf32, #tpu.memory_space<hbm>>) dst(%arg6 : memref<16000xf32, #tpu.memory_space<vmem>>)
      %dma_wait3A_45 = arith.constant 0 : i32
      %dma_wait3A_46 = tpu.memref_slice %arg3[%dma_wait3A_45] : memref<4096000xf32, #tpu.memory_space<hbm>> -> memref<16000xf32, #tpu.memory_space<hbm>>
      %dma_wait3A_47 = arith.constant 0 : i32
      %dma_wait3A_48 = tpu.memref_slice %arg3[%dma_wait3A_47] : memref<4096000xf32, #tpu.memory_space<hbm>> -> memref<16000xf32, #tpu.memory_space<hbm>>
      tpu.wait_dma2 semaphore(%arg14 : memref<!tpu.dma_semaphore, #tpu.memory_space<semaphore_mem>>) src(%dma_wait3A_48 : memref<16000xf32, #tpu.memory_space<hbm>>) dst(%arg8 : memref<16000xf32, #tpu.memory_space<vmem>>)
      %scan3A_49 = arith.constant 0 : i32
      %scan3A_50 = arith.constant 125 : i32
      %scan3A_51 = arith.addi %scan3A_49, %scan3A_50 : i32
      %scan3A_52 = arith.constant 1 : i32
      %scan3A_53:17 = scf.for %scan3A_159 = %scan3A_49 to %scan3A_51 step %scan3A_52 iter_args(%scan3A_160 = %mul3A_22, %scan3A_161 = %broadcast_in_dim3A_23, %scan3A_162 = %broadcast_in_dim3A_25, %scan3A_163 = %broadcast_in_dim3A_25, %scan3A_164 = %broadcast_in_dim3A_25, %scan3A_165 = %broadcast_in_dim3A_23, %scan3A_166 = %broadcast_in_dim3A_25, %scan3A_167 = %broadcast_in_dim3A_25, %scan3A_168 = %broadcast_in_dim3A_25, %scan3A_169 = %broadcast_in_dim3A_23, %scan3A_170 = %broadcast_in_dim3A_25, %scan3A_171 = %broadcast_in_dim3A_25, %scan3A_172 = %broadcast_in_dim3A_25, %scan3A_173 = %broadcast_in_dim3A_23, %scan3A_174 = %broadcast_in_dim3A_25, %scan3A_175 = %broadcast_in_dim3A_25, %scan3A_176 = %broadcast_in_dim3A_25) -> (vector<16xi32>, vector<16xf32>, vector<16xf32>, vector<16xf32>, vector<16xf32>, vector<16xf32>, vector<16xf32>, vector<16xf32>, vector<16xf32>, vector<16xf32>, vector<16xf32>, vector<16xf32>, vector<16xf32>, vector<16xf32>, vector<16xf32>, vector<16xf32>, vector<16xf32>)  : i32 {
        %add3A_177 = arith.constant 0 : i32
        %add3A_178 = vector.broadcast %add3A_177 : i32 to vector<16xi32>
        %add3A_179 = arith.addi %scan3A_160, %add3A_178 : vector<16xi32>
        %gather3A_180 = tpu.vector_load_idx %arg6[%add3A_179] : memref<16000xf32, #tpu.memory_space<vmem>>[vector<16xi32>], vector<16xf32>,
        %gather3A_181 = tpu.vector_load_idx %arg8[%add3A_179] : memref<16000xf32, #tpu.memory_space<vmem>>[vector<16xi32>], vector<16xf32>,
        %gt3A_182 = arith.cmpf ogt, %gather3A_181, %scan3A_161 : vector<16xf32>
        %max3A_183 = arith.maximumf %scan3A_161, %gather3A_181 : vector<16xf32>
        %select_n3A_184 = arith.select %gt3A_182, %gather3A_180, %scan3A_162 : vector<16xi1>, vector<16xf32>
        %add3A_185 = arith.addf %scan3A_163, %gather3A_180 : vector<16xf32>
        %exp3A = math.exp %gather3A_180 : vector<16xf32>
        %add3A_186 = arith.addf %scan3A_164, %exp3A : vector<16xf32>
        %add3A_187 = arith.constant 1 : i32
        %add3A_188 = vector.broadcast %add3A_187 : i32 to vector<16xi32>
        %add3A_189 = arith.addi %scan3A_160, %add3A_188 : vector<16xi32>
        %gather3A_190 = tpu.vector_load_idx %arg6[%add3A_189] : memref<16000xf32, #tpu.memory_space<vmem>>[vector<16xi32>], vector<16xf32>,
        %gather3A_191 = tpu.vector_load_idx %arg8[%add3A_189] : memref<16000xf32, #tpu.memory_space<vmem>>[vector<16xi32>], vector<16xf32>,
        %gt3A_192 = arith.cmpf ogt, %gather3A_191, %scan3A_165 : vector<16xf32>
        %max3A_193 = arith.maximumf %scan3A_165, %gather3A_191 : vector<16xf32>
        %select_n3A_194 = arith.select %gt3A_192, %gather3A_190, %scan3A_166 : vector<16xi1>, vector<16xf32>
        %add3A_195 = arith.addf %scan3A_167, %gather3A_190 : vector<16xf32>
        %exp3A_196 = math.exp %gather3A_190 : vector<16xf32>
        %add3A_197 = arith.addf %scan3A_168, %exp3A_196 : vector<16xf32>
        %add3A_198 = arith.constant 2 : i32
        %add3A_199 = vector.broadcast %add3A_198 : i32 to vector<16xi32>
        %add3A_200 = arith.addi %scan3A_160, %add3A_199 : vector<16xi32>
        %gather3A_201 = tpu.vector_load_idx %arg6[%add3A_200] : memref<16000xf32, #tpu.memory_space<vmem>>[vector<16xi32>], vector<16xf32>,
        %gather3A_202 = tpu.vector_load_idx %arg8[%add3A_200] : memref<16000xf32, #tpu.memory_space<vmem>>[vector<16xi32>], vector<16xf32>,
        %gt3A_203 = arith.cmpf ogt, %gather3A_202, %scan3A_169 : vector<16xf32>
        %max3A_204 = arith.maximumf %scan3A_169, %gather3A_202 : vector<16xf32>
        %select_n3A_205 = arith.select %gt3A_203, %gather3A_201, %scan3A_170 : vector<16xi1>, vector<16xf32>
        %add3A_206 = arith.addf %scan3A_171, %gather3A_201 : vector<16xf32>
        %exp3A_207 = math.exp %gather3A_201 : vector<16xf32>
        %add3A_208 = arith.addf %scan3A_172, %exp3A_207 : vector<16xf32>
        %add3A_209 = arith.constant 3 : i32
        %add3A_210 = vector.broadcast %add3A_209 : i32 to vector<16xi32>
        %add3A_211 = arith.addi %scan3A_160, %add3A_210 : vector<16xi32>
        %gather3A_212 = tpu.vector_load_idx %arg6[%add3A_211] : memref<16000xf32, #tpu.memory_space<vmem>>[vector<16xi32>], vector<16xf32>,
        %gather3A_213 = tpu.vector_load_idx %arg8[%add3A_211] : memref<16000xf32, #tpu.memory_space<vmem>>[vector<16xi32>], vector<16xf32>,
        %gt3A_214 = arith.cmpf ogt, %gather3A_213, %scan3A_173 : vector<16xf32>
        %max3A_215 = arith.maximumf %scan3A_173, %gather3A_213 : vector<16xf32>
        %select_n3A_216 = arith.select %gt3A_214, %gather3A_212, %scan3A_174 : vector<16xi1>, vector<16xf32>
        %add3A_217 = arith.addf %scan3A_175, %gather3A_212 : vector<16xf32>
        %exp3A_218 = math.exp %gather3A_212 : vector<16xf32>
        %add3A_219 = arith.addf %scan3A_176, %exp3A_218 : vector<16xf32>
        %add3A_220 = arith.constant 4 : i32
        %add3A_221 = vector.broadcast %add3A_220 : i32 to vector<16xi32>
        %add3A_222 = arith.addi %scan3A_160, %add3A_221 : vector<16xi32>
        %gather3A_223 = tpu.vector_load_idx %arg6[%add3A_222] : memref<16000xf32, #tpu.memory_space<vmem>>[vector<16xi32>], vector<16xf32>,
        %gather3A_224 = tpu.vector_load_idx %arg8[%add3A_222] : memref<16000xf32, #tpu.memory_space<vmem>>[vector<16xi32>], vector<16xf32>,
        %gt3A_225 = arith.cmpf ogt, %gather3A_224, %max3A_183 : vector<16xf32>
        %max3A_226 = arith.maximumf %max3A_183, %gather3A_224 : vector<16xf32>
        %select_n3A_227 = arith.select %gt3A_225, %gather3A_223, %select_n3A_184 : vector<16xi1>, vector<16xf32>
        %add3A_228 = arith.addf %add3A_185, %gather3A_223 : vector<16xf32>
        %exp3A_229 = math.exp %gather3A_223 : vector<16xf32>
        %add3A_230 = arith.addf %add3A_186, %exp3A_229 : vector<16xf32>
        %add3A_231 = arith.constant 5 : i32
        %add3A_232 = vector.broadcast %add3A_231 : i32 to vector<16xi32>
        %add3A_233 = arith.addi %scan3A_160, %add3A_232 : vector<16xi32>
        %gather3A_234 = tpu.vector_load_idx %arg6[%add3A_233] : memref<16000xf32, #tpu.memory_space<vmem>>[vector<16xi32>], vector<16xf32>,
        %gather3A_235 = tpu.vector_load_idx %arg8[%add3A_233] : memref<16000xf32, #tpu.memory_space<vmem>>[vector<16xi32>], vector<16xf32>,
        %gt3A_236 = arith.cmpf ogt, %gather3A_235, %max3A_193 : vector<16xf32>
        %max3A_237 = arith.maximumf %max3A_193, %gather3A_235 : vector<16xf32>
        %select_n3A_238 = arith.select %gt3A_236, %gather3A_234, %select_n3A_194 : vector<16xi1>, vector<16xf32>
        %add3A_239 = arith.addf %add3A_195, %gather3A_234 : vector<16xf32>
        %exp3A_240 = math.exp %gather3A_234 : vector<16xf32>
        %add3A_241 = arith.addf %add3A_197, %exp3A_240 : vector<16xf32>
        %add3A_242 = arith.constant 6 : i32
        %add3A_243 = vector.broadcast %add3A_242 : i32 to vector<16xi32>
        %add3A_244 = arith.addi %scan3A_160, %add3A_243 : vector<16xi32>
        %gather3A_245 = tpu.vector_load_idx %arg6[%add3A_244] : memref<16000xf32, #tpu.memory_space<vmem>>[vector<16xi32>], vector<16xf32>,
        %gather3A_246 = tpu.vector_load_idx %arg8[%add3A_244] : memref<16000xf32, #tpu.memory_space<vmem>>[vector<16xi32>], vector<16xf32>,
        %gt3A_247 = arith.cmpf ogt, %gather3A_246, %max3A_204 : vector<16xf32>
        %max3A_248 = arith.maximumf %max3A_204, %gather3A_246 : vector<16xf32>
        %select_n3A_249 = arith.select %gt3A_247, %gather3A_245, %select_n3A_205 : vector<16xi1>, vector<16xf32>
        %add3A_250 = arith.addf %add3A_206, %gather3A_245 : vector<16xf32>
        %exp3A_251 = math.exp %gather3A_245 : vector<16xf32>
        %add3A_252 = arith.addf %add3A_208, %exp3A_251 : vector<16xf32>
        %add3A_253 = arith.constant 7 : i32
        %add3A_254 = vector.broadcast %add3A_253 : i32 to vector<16xi32>
        %add3A_255 = arith.addi %scan3A_160, %add3A_254 : vector<16xi32>
        %gather3A_256 = tpu.vector_load_idx %arg6[%add3A_255] : memref<16000xf32, #tpu.memory_space<vmem>>[vector<16xi32>], vector<16xf32>,
        %gather3A_257 = tpu.vector_load_idx %arg8[%add3A_255] : memref<16000xf32, #tpu.memory_space<vmem>>[vector<16xi32>], vector<16xf32>,
        %gt3A_258 = arith.cmpf ogt, %gather3A_257, %max3A_215 : vector<16xf32>
        %max3A_259 = arith.maximumf %max3A_215, %gather3A_257 : vector<16xf32>
        %select_n3A_260 = arith.select %gt3A_258, %gather3A_256, %select_n3A_216 : vector<16xi1>, vector<16xf32>
        %add3A_261 = arith.addf %add3A_217, %gather3A_256 : vector<16xf32>
        %exp3A_262 = math.exp %gather3A_256 : vector<16xf32>
        %add3A_263 = arith.addf %add3A_219, %exp3A_262 : vector<16xf32>
        %add3A_264 = arith.constant 8 : i32
        %add3A_265 = vector.broadcast %add3A_264 : i32 to vector<16xi32>
        %add3A_266 = arith.addi %scan3A_160, %add3A_265 : vector<16xi32>
        scf.yield %add3A_266, %max3A_226, %select_n3A_227, %add3A_228, %add3A_230, %max3A_237, %select_n3A_238, %add3A_239, %add3A_241, %max3A_248, %select_n3A_249, %add3A_250, %add3A_252, %max3A_259, %select_n3A_260, %add3A_261, %add3A_263 : vector<16xi32>, vector<16xf32>, vector<16xf32>, vector<16xf32>, vector<16xf32>, vector<16xf32>, vector<16xf32>, vector<16xf32>, vector<16xf32>, vector<16xf32>, vector<16xf32>, vector<16xf32>, vector<16xf32>, vector<16xf32>, vector<16xf32>, vector<16xf32>, vector<16xf32>
      }
      %scan3A_54 = arith.constant 125 : i32
      %gt3A = arith.cmpf ogt, %scan3A_53#5, %scan3A_53#1 : vector<16xf32>
      %max3A = arith.maximumf %scan3A_53#1, %scan3A_53#5 : vector<16xf32>
      %select_n3A = arith.select %gt3A, %scan3A_53#6, %scan3A_53#2 : vector<16xi1>, vector<16xf32>
      %add3A_55 = arith.addf %scan3A_53#3, %scan3A_53#7 : vector<16xf32>
      %add3A_56 = arith.addf %scan3A_53#4, %scan3A_53#8 : vector<16xf32>
      %gt3A_57 = arith.cmpf ogt, %scan3A_53#13, %scan3A_53#9 : vector<16xf32>
      %max3A_58 = arith.maximumf %scan3A_53#9, %scan3A_53#13 : vector<16xf32>
      %select_n3A_59 = arith.select %gt3A_57, %scan3A_53#14, %scan3A_53#10 : vector<16xi1>, vector<16xf32>
      %add3A_60 = arith.addf %scan3A_53#11, %scan3A_53#15 : vector<16xf32>
      %add3A_61 = arith.addf %scan3A_53#12, %scan3A_53#16 : vector<16xf32>
      %gt3A_62 = arith.cmpf ogt, %max3A_58, %max3A : vector<16xf32>
      %max3A_63 = arith.maximumf %max3A, %max3A_58 : vector<16xf32>
      %select_n3A_64 = arith.select %gt3A_62, %select_n3A_59, %select_n3A : vector<16xi1>, vector<16xf32>
      %add3A_65 = arith.addf %add3A_55, %add3A_60 : vector<16xf32>
      %add3A_66 = arith.addf %add3A_56, %add3A_61 : vector<16xf32>
      %gather3A = tpu.vector_load_idx %arg6[%mul3A_22] : memref<16000xf32, #tpu.memory_space<vmem>>[vector<16xi32>], vector<16xf32>,
      %gather3A_67 = tpu.vector_load_idx %arg8[%mul3A_22] : memref<16000xf32, #tpu.memory_space<vmem>>[vector<16xi32>], vector<16xf32>,
      %ge3A = arith.cmpf oge, %gather3A_67, %max3A_63 : vector<16xf32>
      %mul3A_68 = arith.constant 0.899999976 : f32
      %mul3A_69 = vector.broadcast %mul3A_68 : f32 to vector<16xf32>
      %mul3A_70 = arith.mulf %mul3A_69, %select_n3A_64 : vector<16xf32>
      %sub3A = arith.constant -1.01565826 : f32
      %sub3A_71 = vector.broadcast %sub3A : f32 to vector<16xf32>
      %sub3A_72 = arith.subf %sub3A_71, %mul3A_70 : vector<16xf32>
      %sub3A_73 = arith.subf %add3A_65, %gather3A : vector<16xf32>
      %sub3A_74 = arith.subf %sub3A_73, %select_n3A_64 : vector<16xf32>
      %mul3A_75 = arith.constant 1.00200399E-4 : f32
      %mul3A_76 = vector.broadcast %mul3A_75 : f32 to vector<16xf32>
      %mul3A_77 = arith.mulf %mul3A_76, %sub3A_74 : vector<16xf32>
      %sub3A_78 = arith.subf %sub3A_72, %mul3A_77 : vector<16xf32>
      %jit3A = arith.constant 0.000000e+00 : f32
      %broadcast_in_dim3A_79 = vector.broadcast %jit3A : f32 to vector<16xf32>
      %select_n3A_80 = arith.select %ge3A, %broadcast_in_dim3A_79, %sub3A_78 : vector<16xi1>, vector<16xf32>
      %add3A_81 = arith.addf %scan3A_37, %select_n3A_80 : vector<16xf32>
      %jit3A_82 = arith.constant 1.000000e+00 : f32
      %broadcast_in_dim3A_83 = vector.broadcast %jit3A_82 : f32 to vector<16xf32>
      %select_n3A_84 = arith.select %ge3A, %broadcast_in_dim3A_83, %add3A_66 : vector<16xi1>, vector<16xf32>
      %mul3A_85 = arith.constant 16 : i32
      %mul3A_86 = arith.muli %add3A_41, %mul3A_85 : i32
      %swap3A_87 = arith.index_cast %mul3A_86 : i32 to index
      %swap3A_88 = tpu.vector_load %arg10[%swap3A_87] {strides = array<i32>} : memref<128xf32, #tpu.memory_space<vmem>>, vector<16xf32>,
      tpu.vector_store %arg10[%swap3A_87], %select_n3A_84 {strides = array<i32>} : memref<128xf32, #tpu.memory_space<vmem>>, vector<16xf32>,
      %add3A_89 = arith.constant 2 : i32
      %add3A_90 = arith.addi %add3A_41, %add3A_89 : i32
      %lt3A = arith.constant 8 : i32
      %lt3A_91 = arith.cmpi slt, %add3A_90, %lt3A : i32
      %convert_element_type3A = arith.extui %lt3A_91 : i1 to i32
      %cond3A = arith.constant 0 : i32
      %cond3A_92 = arith.cmpi ne, %convert_element_type3A, %cond3A : i32
      scf.if %cond3A_92 {
        %add3A_159 = arith.constant 2 : i32
        %add3A_160 = arith.addi %add3A_41, %add3A_159 : i32
        %mul3A_161 = arith.constant 16000 : i32
        %mul3A_162 = arith.muli %add3A_160, %mul3A_161 : i32
        %add3A_163 = arith.addi %mul3A_4, %mul3A_162 : i32
        %dma_start3A_164 = tpu.memref_slice %arg2[%add3A_163] : memref<4096000xf32, #tpu.memory_space<hbm>> -> memref<16000xf32, #tpu.memory_space<hbm>>
        %dma_start3A_165 = tpu.memref_slice %arg2[%add3A_163] : memref<4096000xf32, #tpu.memory_space<hbm>> -> memref<16000xf32, #tpu.memory_space<hbm>>
        tpu.enqueue_dma source(%dma_start3A_165 : memref<16000xf32, #tpu.memory_space<hbm>>) target(%arg6 : memref<16000xf32, #tpu.memory_space<vmem>>) target_semaphore(%arg12 : memref<!tpu.dma_semaphore, #tpu.memory_space<semaphore_mem>>)
        %dma_start3A_166 = tpu.memref_slice %arg3[%add3A_163] : memref<4096000xf32, #tpu.memory_space<hbm>> -> memref<16000xf32, #tpu.memory_space<hbm>>
        %dma_start3A_167 = tpu.memref_slice %arg3[%add3A_163] : memref<4096000xf32, #tpu.memory_space<hbm>> -> memref<16000xf32, #tpu.memory_space<hbm>>
        tpu.enqueue_dma source(%dma_start3A_167 : memref<16000xf32, #tpu.memory_space<hbm>>) target(%arg8 : memref<16000xf32, #tpu.memory_space<vmem>>) target_semaphore(%arg14 : memref<!tpu.dma_semaphore, #tpu.memory_space<semaphore_mem>>)
      } else {
      }
      %mul3A_93 = arith.constant 2 : i32
      %mul3A_94 = arith.muli %scan3A_36, %mul3A_93 : i32
      %add3A_95 = arith.constant 1 : i32
      %add3A_96 = arith.addi %mul3A_94, %add3A_95 : i32
      %dma_wait3A_97 = arith.constant 0 : i32
      %dma_wait3A_98 = tpu.memref_slice %arg2[%dma_wait3A_97] : memref<4096000xf32, #tpu.memory_space<hbm>> -> memref<16000xf32, #tpu.memory_space<hbm>>
      %dma_wait3A_99 = arith.constant 0 : i32
      %dma_wait3A_100 = tpu.memref_slice %arg2[%dma_wait3A_99] : memref<4096000xf32, #tpu.memory_space<hbm>> -> memref<16000xf32, #tpu.memory_space<hbm>>
      tpu.wait_dma2 semaphore(%arg13 : memref<!tpu.dma_semaphore, #tpu.memory_space<semaphore_mem>>) src(%dma_wait3A_100 : memref<16000xf32, #tpu.memory_space<hbm>>) dst(%arg7 : memref<16000xf32, #tpu.memory_space<vmem>>)
      %dma_wait3A_101 = arith.constant 0 : i32
      %dma_wait3A_102 = tpu.memref_slice %arg3[%dma_wait3A_101] : memref<4096000xf32, #tpu.memory_space<hbm>> -> memref<16000xf32, #tpu.memory_space<hbm>>
      %dma_wait3A_103 = arith.constant 0 : i32
      %dma_wait3A_104 = tpu.memref_slice %arg3[%dma_wait3A_103] : memref<4096000xf32, #tpu.memory_space<hbm>> -> memref<16000xf32, #tpu.memory_space<hbm>>
      tpu.wait_dma2 semaphore(%arg15 : memref<!tpu.dma_semaphore, #tpu.memory_space<semaphore_mem>>) src(%dma_wait3A_104 : memref<16000xf32, #tpu.memory_space<hbm>>) dst(%arg9 : memref<16000xf32, #tpu.memory_space<vmem>>)
      %scan3A_105 = arith.constant 0 : i32
      %scan3A_106 = arith.constant 125 : i32
      %scan3A_107 = arith.addi %scan3A_105, %scan3A_106 : i32
      %scan3A_108 = arith.constant 1 : i32
      %scan3A_109:17 = scf.for %scan3A_159 = %scan3A_105 to %scan3A_107 step %scan3A_108 iter_args(%scan3A_160 = %mul3A_22, %scan3A_161 = %broadcast_in_dim3A_23, %scan3A_162 = %broadcast_in_dim3A_25, %scan3A_163 = %broadcast_in_dim3A_25, %scan3A_164 = %broadcast_in_dim3A_25, %scan3A_165 = %broadcast_in_dim3A_23, %scan3A_166 = %broadcast_in_dim3A_25, %scan3A_167 = %broadcast_in_dim3A_25, %scan3A_168 = %broadcast_in_dim3A_25, %scan3A_169 = %broadcast_in_dim3A_23, %scan3A_170 = %broadcast_in_dim3A_25, %scan3A_171 = %broadcast_in_dim3A_25, %scan3A_172 = %broadcast_in_dim3A_25, %scan3A_173 = %broadcast_in_dim3A_23, %scan3A_174 = %broadcast_in_dim3A_25, %scan3A_175 = %broadcast_in_dim3A_25, %scan3A_176 = %broadcast_in_dim3A_25) -> (vector<16xi32>, vector<16xf32>, vector<16xf32>, vector<16xf32>, vector<16xf32>, vector<16xf32>, vector<16xf32>, vector<16xf32>, vector<16xf32>, vector<16xf32>, vector<16xf32>, vector<16xf32>, vector<16xf32>, vector<16xf32>, vector<16xf32>, vector<16xf32>, vector<16xf32>)  : i32 {
        %add3A_177 = arith.constant 0 : i32
        %add3A_178 = vector.broadcast %add3A_177 : i32 to vector<16xi32>
        %add3A_179 = arith.addi %scan3A_160, %add3A_178 : vector<16xi32>
        %gather3A_180 = tpu.vector_load_idx %arg7[%add3A_179] : memref<16000xf32, #tpu.memory_space<vmem>>[vector<16xi32>], vector<16xf32>,
        %gather3A_181 = tpu.vector_load_idx %arg9[%add3A_179] : memref<16000xf32, #tpu.memory_space<vmem>>[vector<16xi32>], vector<16xf32>,
        %gt3A_182 = arith.cmpf ogt, %gather3A_181, %scan3A_161 : vector<16xf32>
        %max3A_183 = arith.maximumf %scan3A_161, %gather3A_181 : vector<16xf32>
        %select_n3A_184 = arith.select %gt3A_182, %gather3A_180, %scan3A_162 : vector<16xi1>, vector<16xf32>
        %add3A_185 = arith.addf %scan3A_163, %gather3A_180 : vector<16xf32>
        %exp3A = math.exp %gather3A_180 : vector<16xf32>
        %add3A_186 = arith.addf %scan3A_164, %exp3A : vector<16xf32>
        %add3A_187 = arith.constant 1 : i32
        %add3A_188 = vector.broadcast %add3A_187 : i32 to vector<16xi32>
        %add3A_189 = arith.addi %scan3A_160, %add3A_188 : vector<16xi32>
        %gather3A_190 = tpu.vector_load_idx %arg7[%add3A_189] : memref<16000xf32, #tpu.memory_space<vmem>>[vector<16xi32>], vector<16xf32>,
        %gather3A_191 = tpu.vector_load_idx %arg9[%add3A_189] : memref<16000xf32, #tpu.memory_space<vmem>>[vector<16xi32>], vector<16xf32>,
        %gt3A_192 = arith.cmpf ogt, %gather3A_191, %scan3A_165 : vector<16xf32>
        %max3A_193 = arith.maximumf %scan3A_165, %gather3A_191 : vector<16xf32>
        %select_n3A_194 = arith.select %gt3A_192, %gather3A_190, %scan3A_166 : vector<16xi1>, vector<16xf32>
        %add3A_195 = arith.addf %scan3A_167, %gather3A_190 : vector<16xf32>
        %exp3A_196 = math.exp %gather3A_190 : vector<16xf32>
        %add3A_197 = arith.addf %scan3A_168, %exp3A_196 : vector<16xf32>
        %add3A_198 = arith.constant 2 : i32
        %add3A_199 = vector.broadcast %add3A_198 : i32 to vector<16xi32>
        %add3A_200 = arith.addi %scan3A_160, %add3A_199 : vector<16xi32>
        %gather3A_201 = tpu.vector_load_idx %arg7[%add3A_200] : memref<16000xf32, #tpu.memory_space<vmem>>[vector<16xi32>], vector<16xf32>,
        %gather3A_202 = tpu.vector_load_idx %arg9[%add3A_200] : memref<16000xf32, #tpu.memory_space<vmem>>[vector<16xi32>], vector<16xf32>,
        %gt3A_203 = arith.cmpf ogt, %gather3A_202, %scan3A_169 : vector<16xf32>
        %max3A_204 = arith.maximumf %scan3A_169, %gather3A_202 : vector<16xf32>
        %select_n3A_205 = arith.select %gt3A_203, %gather3A_201, %scan3A_170 : vector<16xi1>, vector<16xf32>
        %add3A_206 = arith.addf %scan3A_171, %gather3A_201 : vector<16xf32>
        %exp3A_207 = math.exp %gather3A_201 : vector<16xf32>
        %add3A_208 = arith.addf %scan3A_172, %exp3A_207 : vector<16xf32>
        %add3A_209 = arith.constant 3 : i32
        %add3A_210 = vector.broadcast %add3A_209 : i32 to vector<16xi32>
        %add3A_211 = arith.addi %scan3A_160, %add3A_210 : vector<16xi32>
        %gather3A_212 = tpu.vector_load_idx %arg7[%add3A_211] : memref<16000xf32, #tpu.memory_space<vmem>>[vector<16xi32>], vector<16xf32>,
        %gather3A_213 = tpu.vector_load_idx %arg9[%add3A_211] : memref<16000xf32, #tpu.memory_space<vmem>>[vector<16xi32>], vector<16xf32>,
        %gt3A_214 = arith.cmpf ogt, %gather3A_213, %scan3A_173 : vector<16xf32>
        %max3A_215 = arith.maximumf %scan3A_173, %gather3A_213 : vector<16xf32>
        %select_n3A_216 = arith.select %gt3A_214, %gather3A_212, %scan3A_174 : vector<16xi1>, vector<16xf32>
        %add3A_217 = arith.addf %scan3A_175, %gather3A_212 : vector<16xf32>
        %exp3A_218 = math.exp %gather3A_212 : vector<16xf32>
        %add3A_219 = arith.addf %scan3A_176, %exp3A_218 : vector<16xf32>
        %add3A_220 = arith.constant 4 : i32
        %add3A_221 = vector.broadcast %add3A_220 : i32 to vector<16xi32>
        %add3A_222 = arith.addi %scan3A_160, %add3A_221 : vector<16xi32>
        %gather3A_223 = tpu.vector_load_idx %arg7[%add3A_222] : memref<16000xf32, #tpu.memory_space<vmem>>[vector<16xi32>], vector<16xf32>,
        %gather3A_224 = tpu.vector_load_idx %arg9[%add3A_222] : memref<16000xf32, #tpu.memory_space<vmem>>[vector<16xi32>], vector<16xf32>,
        %gt3A_225 = arith.cmpf ogt, %gather3A_224, %max3A_183 : vector<16xf32>
        %max3A_226 = arith.maximumf %max3A_183, %gather3A_224 : vector<16xf32>
        %select_n3A_227 = arith.select %gt3A_225, %gather3A_223, %select_n3A_184 : vector<16xi1>, vector<16xf32>
        %add3A_228 = arith.addf %add3A_185, %gather3A_223 : vector<16xf32>
        %exp3A_229 = math.exp %gather3A_223 : vector<16xf32>
        %add3A_230 = arith.addf %add3A_186, %exp3A_229 : vector<16xf32>
        %add3A_231 = arith.constant 5 : i32
        %add3A_232 = vector.broadcast %add3A_231 : i32 to vector<16xi32>
        %add3A_233 = arith.addi %scan3A_160, %add3A_232 : vector<16xi32>
        %gather3A_234 = tpu.vector_load_idx %arg7[%add3A_233] : memref<16000xf32, #tpu.memory_space<vmem>>[vector<16xi32>], vector<16xf32>,
        %gather3A_235 = tpu.vector_load_idx %arg9[%add3A_233] : memref<16000xf32, #tpu.memory_space<vmem>>[vector<16xi32>], vector<16xf32>,
        %gt3A_236 = arith.cmpf ogt, %gather3A_235, %max3A_193 : vector<16xf32>
        %max3A_237 = arith.maximumf %max3A_193, %gather3A_235 : vector<16xf32>
        %select_n3A_238 = arith.select %gt3A_236, %gather3A_234, %select_n3A_194 : vector<16xi1>, vector<16xf32>
        %add3A_239 = arith.addf %add3A_195, %gather3A_234 : vector<16xf32>
        %exp3A_240 = math.exp %gather3A_234 : vector<16xf32>
        %add3A_241 = arith.addf %add3A_197, %exp3A_240 : vector<16xf32>
        %add3A_242 = arith.constant 6 : i32
        %add3A_243 = vector.broadcast %add3A_242 : i32 to vector<16xi32>
        %add3A_244 = arith.addi %scan3A_160, %add3A_243 : vector<16xi32>
        %gather3A_245 = tpu.vector_load_idx %arg7[%add3A_244] : memref<16000xf32, #tpu.memory_space<vmem>>[vector<16xi32>], vector<16xf32>,
        %gather3A_246 = tpu.vector_load_idx %arg9[%add3A_244] : memref<16000xf32, #tpu.memory_space<vmem>>[vector<16xi32>], vector<16xf32>,
        %gt3A_247 = arith.cmpf ogt, %gather3A_246, %max3A_204 : vector<16xf32>
        %max3A_248 = arith.maximumf %max3A_204, %gather3A_246 : vector<16xf32>
        %select_n3A_249 = arith.select %gt3A_247, %gather3A_245, %select_n3A_205 : vector<16xi1>, vector<16xf32>
        %add3A_250 = arith.addf %add3A_206, %gather3A_245 : vector<16xf32>
        %exp3A_251 = math.exp %gather3A_245 : vector<16xf32>
        %add3A_252 = arith.addf %add3A_208, %exp3A_251 : vector<16xf32>
        %add3A_253 = arith.constant 7 : i32
        %add3A_254 = vector.broadcast %add3A_253 : i32 to vector<16xi32>
        %add3A_255 = arith.addi %scan3A_160, %add3A_254 : vector<16xi32>
        %gather3A_256 = tpu.vector_load_idx %arg7[%add3A_255] : memref<16000xf32, #tpu.memory_space<vmem>>[vector<16xi32>], vector<16xf32>,
        %gather3A_257 = tpu.vector_load_idx %arg9[%add3A_255] : memref<16000xf32, #tpu.memory_space<vmem>>[vector<16xi32>], vector<16xf32>,
        %gt3A_258 = arith.cmpf ogt, %gather3A_257, %max3A_215 : vector<16xf32>
        %max3A_259 = arith.maximumf %max3A_215, %gather3A_257 : vector<16xf32>
        %select_n3A_260 = arith.select %gt3A_258, %gather3A_256, %select_n3A_216 : vector<16xi1>, vector<16xf32>
        %add3A_261 = arith.addf %add3A_217, %gather3A_256 : vector<16xf32>
        %exp3A_262 = math.exp %gather3A_256 : vector<16xf32>
        %add3A_263 = arith.addf %add3A_219, %exp3A_262 : vector<16xf32>
        %add3A_264 = arith.constant 8 : i32
        %add3A_265 = vector.broadcast %add3A_264 : i32 to vector<16xi32>
        %add3A_266 = arith.addi %scan3A_160, %add3A_265 : vector<16xi32>
        scf.yield %add3A_266, %max3A_226, %select_n3A_227, %add3A_228, %add3A_230, %max3A_237, %select_n3A_238, %add3A_239, %add3A_241, %max3A_248, %select_n3A_249, %add3A_250, %add3A_252, %max3A_259, %select_n3A_260, %add3A_261, %add3A_263 : vector<16xi32>, vector<16xf32>, vector<16xf32>, vector<16xf32>, vector<16xf32>, vector<16xf32>, vector<16xf32>, vector<16xf32>, vector<16xf32>, vector<16xf32>, vector<16xf32>, vector<16xf32>, vector<16xf32>, vector<16xf32>, vector<16xf32>, vector<16xf32>, vector<16xf32>
      }
      %scan3A_110 = arith.constant 125 : i32
      %gt3A_111 = arith.cmpf ogt, %scan3A_109#5, %scan3A_109#1 : vector<16xf32>
      %max3A_112 = arith.maximumf %scan3A_109#1, %scan3A_109#5 : vector<16xf32>
      %select_n3A_113 = arith.select %gt3A_111, %scan3A_109#6, %scan3A_109#2 : vector<16xi1>, vector<16xf32>
      %add3A_114 = arith.addf %scan3A_109#3, %scan3A_109#7 : vector<16xf32>
      %add3A_115 = arith.addf %scan3A_109#4, %scan3A_109#8 : vector<16xf32>
      %gt3A_116 = arith.cmpf ogt, %scan3A_109#13, %scan3A_109#9 : vector<16xf32>
      %max3A_117 = arith.maximumf %scan3A_109#9, %scan3A_109#13 : vector<16xf32>
      %select_n3A_118 = arith.select %gt3A_116, %scan3A_109#14, %scan3A_109#10 : vector<16xi1>, vector<16xf32>
      %add3A_119 = arith.addf %scan3A_109#11, %scan3A_109#15 : vector<16xf32>
      %add3A_120 = arith.addf %scan3A_109#12, %scan3A_109#16 : vector<16xf32>
      %gt3A_121 = arith.cmpf ogt, %max3A_117, %max3A_112 : vector<16xf32>
      %max3A_122 = arith.maximumf %max3A_112, %max3A_117 : vector<16xf32>
      %select_n3A_123 = arith.select %gt3A_121, %select_n3A_118, %select_n3A_113 : vector<16xi1>, vector<16xf32>
      %add3A_124 = arith.addf %add3A_114, %add3A_119 : vector<16xf32>
      %add3A_125 = arith.addf %add3A_115, %add3A_120 : vector<16xf32>
      %gather3A_126 = tpu.vector_load_idx %arg7[%mul3A_22] : memref<16000xf32, #tpu.memory_space<vmem>>[vector<16xi32>], vector<16xf32>,
      %gather3A_127 = tpu.vector_load_idx %arg9[%mul3A_22] : memref<16000xf32, #tpu.memory_space<vmem>>[vector<16xi32>], vector<16xf32>,
      %ge3A_128 = arith.cmpf oge, %gather3A_127, %max3A_122 : vector<16xf32>
      %mul3A_129 = arith.constant 0.899999976 : f32
      %mul3A_130 = vector.broadcast %mul3A_129 : f32 to vector<16xf32>
      %mul3A_131 = arith.mulf %mul3A_130, %select_n3A_123 : vector<16xf32>
      %sub3A_132 = arith.constant -1.01565826 : f32
      %sub3A_133 = vector.broadcast %sub3A_132 : f32 to vector<16xf32>
      %sub3A_134 = arith.subf %sub3A_133, %mul3A_131 : vector<16xf32>
      %sub3A_135 = arith.subf %add3A_124, %gather3A_126 : vector<16xf32>
      %sub3A_136 = arith.subf %sub3A_135, %select_n3A_123 : vector<16xf32>
      %mul3A_137 = arith.constant 1.00200399E-4 : f32
      %mul3A_138 = vector.broadcast %mul3A_137 : f32 to vector<16xf32>
      %mul3A_139 = arith.mulf %mul3A_138, %sub3A_136 : vector<16xf32>
      %sub3A_140 = arith.subf %sub3A_134, %mul3A_139 : vector<16xf32>
      %jit3A_141 = arith.constant 0.000000e+00 : f32
      %broadcast_in_dim3A_142 = vector.broadcast %jit3A_141 : f32 to vector<16xf32>
      %select_n3A_143 = arith.select %ge3A_128, %broadcast_in_dim3A_142, %sub3A_140 : vector<16xi1>, vector<16xf32>
      %add3A_144 = arith.addf %add3A_81, %select_n3A_143 : vector<16xf32>
      %jit3A_145 = arith.constant 1.000000e+00 : f32
      %broadcast_in_dim3A_146 = vector.broadcast %jit3A_145 : f32 to vector<16xf32>
      %select_n3A_147 = arith.select %ge3A_128, %broadcast_in_dim3A_146, %add3A_125 : vector<16xi1>, vector<16xf32>
      %mul3A_148 = arith.constant 16 : i32
      %mul3A_149 = arith.muli %add3A_96, %mul3A_148 : i32
      %swap3A_150 = arith.index_cast %mul3A_149 : i32 to index
      %swap3A_151 = tpu.vector_load %arg10[%swap3A_150] {strides = array<i32>} : memref<128xf32, #tpu.memory_space<vmem>>, vector<16xf32>,
      tpu.vector_store %arg10[%swap3A_150], %select_n3A_147 {strides = array<i32>} : memref<128xf32, #tpu.memory_space<vmem>>, vector<16xf32>,
      %add3A_152 = arith.constant 2 : i32
      %add3A_153 = arith.addi %add3A_96, %add3A_152 : i32
      %lt3A_154 = arith.constant 8 : i32
      %lt3A_155 = arith.cmpi slt, %add3A_153, %lt3A_154 : i32
      %convert_element_type3A_156 = arith.extui %lt3A_155 : i1 to i32
      %cond3A_157 = arith.constant 0 : i32
      %cond3A_158 = arith.cmpi ne, %convert_element_type3A_156, %cond3A_157 : i32
      scf.if %cond3A_158 {
        %add3A_159 = arith.constant 2 : i32
        %add3A_160 = arith.addi %add3A_96, %add3A_159 : i32
        %mul3A_161 = arith.constant 16000 : i32
        %mul3A_162 = arith.muli %add3A_160, %mul3A_161 : i32
        %add3A_163 = arith.addi %mul3A_4, %mul3A_162 : i32
        %dma_start3A_164 = tpu.memref_slice %arg2[%add3A_163] : memref<4096000xf32, #tpu.memory_space<hbm>> -> memref<16000xf32, #tpu.memory_space<hbm>>
        %dma_start3A_165 = tpu.memref_slice %arg2[%add3A_163] : memref<4096000xf32, #tpu.memory_space<hbm>> -> memref<16000xf32, #tpu.memory_space<hbm>>
        tpu.enqueue_dma source(%dma_start3A_165 : memref<16000xf32, #tpu.memory_space<hbm>>) target(%arg7 : memref<16000xf32, #tpu.memory_space<vmem>>) target_semaphore(%arg13 : memref<!tpu.dma_semaphore, #tpu.memory_space<semaphore_mem>>)
        %dma_start3A_166 = tpu.memref_slice %arg3[%add3A_163] : memref<4096000xf32, #tpu.memory_space<hbm>> -> memref<16000xf32, #tpu.memory_space<hbm>>
        %dma_start3A_167 = tpu.memref_slice %arg3[%add3A_163] : memref<4096000xf32, #tpu.memory_space<hbm>> -> memref<16000xf32, #tpu.memory_space<hbm>>
        tpu.enqueue_dma source(%dma_start3A_167 : memref<16000xf32, #tpu.memory_space<hbm>>) target(%arg9 : memref<16000xf32, #tpu.memory_space<vmem>>) target_semaphore(%arg15 : memref<!tpu.dma_semaphore, #tpu.memory_space<semaphore_mem>>)
      } else {
      }
      scf.yield %add3A_144 : vector<16xf32>
    }
    %scan3A_30 = arith.constant 4 : i32
    %swap3A = arith.constant 0 : index
    %swap3A_31 = tpu.vector_load %arg11[%swap3A] {strides = array<i32>} : memref<16xf32, #tpu.memory_space<vmem>>, vector<16xf32>,
    tpu.vector_store %arg11[%swap3A], %scan3A_29 {strides = array<i32>} : memref<16xf32, #tpu.memory_space<vmem>>, vector<16xf32>,
    %mul3A_32 = arith.constant 128 : i32
    %mul3A_33 = arith.muli %add3A, %mul3A_32 : i32
    "tpu.region"() ({
      %run_scoped3A = tpu.sem_alloc : memref<!tpu.dma_semaphore, #tpu.memory_space<semaphore_mem>>
      %dma_start3A_36 = tpu.memref_slice %arg4[%mul3A_33] : memref<4096xf32, #tpu.memory_space<hbm>> -> memref<128xf32, #tpu.memory_space<hbm>>
      %dma_start3A_37 = tpu.memref_slice %arg4[%mul3A_33] : memref<4096xf32, #tpu.memory_space<hbm>> -> memref<128xf32, #tpu.memory_space<hbm>>
      tpu.enqueue_dma source(%arg10 : memref<128xf32, #tpu.memory_space<vmem>>) target(%dma_start3A_37 : memref<128xf32, #tpu.memory_space<hbm>>) target_semaphore(%run_scoped3A : memref<!tpu.dma_semaphore, #tpu.memory_space<semaphore_mem>>)
      %dma_wait3A = tpu.memref_slice %arg4[%mul3A_33] : memref<4096xf32, #tpu.memory_space<hbm>> -> memref<128xf32, #tpu.memory_space<hbm>>
      %dma_wait3A_38 = tpu.memref_slice %arg4[%mul3A_33] : memref<4096xf32, #tpu.memory_space<hbm>> -> memref<128xf32, #tpu.memory_space<hbm>>
      tpu.wait_dma2 semaphore(%run_scoped3A : memref<!tpu.dma_semaphore, #tpu.memory_space<semaphore_mem>>) src(%arg10 : memref<128xf32, #tpu.memory_space<vmem>>) dst(%dma_wait3A_38 : memref<128xf32, #tpu.memory_space<hbm>>)
      tpu.yield
    }) : () -> ()
    %mul3A_34 = arith.constant 16 : i32
    %mul3A_35 = arith.muli %add3A, %mul3A_34 : i32
    "tpu.region"() ({
      %run_scoped3A = tpu.sem_alloc : memref<!tpu.dma_semaphore, #tpu.memory_space<semaphore_mem>>
      %dma_start3A_36 = tpu.memref_slice %arg5[%mul3A_35] : memref<512xf32, #tpu.memory_space<hbm>> -> memref<16xf32, #tpu.memory_space<hbm>>
      %dma_start3A_37 = tpu.memref_slice %arg5[%mul3A_35] : memref<512xf32, #tpu.memory_space<hbm>> -> memref<16xf32, #tpu.memory_space<hbm>>
      tpu.enqueue_dma source(%arg11 : memref<16xf32, #tpu.memory_space<vmem>>) target(%dma_start3A_37 : memref<16xf32, #tpu.memory_space<hbm>>) target_semaphore(%run_scoped3A : memref<!tpu.dma_semaphore, #tpu.memory_space<semaphore_mem>>)
      %dma_wait3A = tpu.memref_slice %arg5[%mul3A_35] : memref<512xf32, #tpu.memory_space<hbm>> -> memref<16xf32, #tpu.memory_space<hbm>>
      %dma_wait3A_38 = tpu.memref_slice %arg5[%mul3A_35] : memref<512xf32, #tpu.memory_space<hbm>> -> memref<16xf32, #tpu.memory_space<hbm>>
      tpu.wait_dma2 semaphore(%run_scoped3A : memref<!tpu.dma_semaphore, #tpu.memory_space<semaphore_mem>>) src(%arg11 : memref<16xf32, #tpu.memory_space<vmem>>) dst(%dma_wait3A_38 : memref<16xf32, #tpu.memory_space<hbm>>)
      tpu.yield
    }) : () -> ()
    return
  }
}

module attributes {stable_mosaic.version = 14 : i64} {
  func.func @_tc_body(%arg0: i32, %arg1: memref<1024x1000xf32, #tpu.memory_space<vmem>>, %arg2: memref<1024x1000xf32, #tpu.memory_space<vmem>>, %arg3: memref<1x1xf32, #tpu.memory_space<smem>>) attributes {dimension_semantics = [#tpu.dimension_semantics<arbitrary>], iteration_bounds = array<i64: 12>, scalar_prefetch = 0 : i64, scratch_operands = 0 : i64, tpu.core_type = #tpu.core_type<tc>, window_params = [{transform_indices = @transform_0, window_bounds = array<i64: 1024, 1000>}, {transform_indices = @transform_1, window_bounds = array<i64: 1024, 1000>}, {transform_indices = @transform_2, window_bounds = array<i64: 1, 1>}]} {
    %get3A = arith.constant 0 : index
    %get3A_0 = arith.constant 0 : index
    %get3A_1 = vector.load %arg1[%get3A, %get3A_0] : memref<1024x1000xf32, #tpu.memory_space<vmem>>, vector<1024x1000xf32>
    %get3A_2 = arith.constant 0 : index
    %get3A_3 = arith.constant 0 : index
    %get3A_4 = vector.load %arg2[%get3A_2, %get3A_3] : memref<1024x1000xf32, #tpu.memory_space<vmem>>, vector<1024x1000xf32>
    %exp3A = math.exp %get3A_1 : vector<1024x1000xf32>
    %reduce_sum3A = arith.constant dense<0.000000e+00> : vector<1024xf32>
    %reduce_sum3A_5 = vector.multi_reduction <add>, %exp3A, %reduce_sum3A [1] : vector<1024x1000xf32> to vector<1024xf32>
    %log3A = math.log %reduce_sum3A_5 : vector<1024xf32>
    %reduce_sum3A_6 = arith.constant dense<0.000000e+00> : vector<1024xf32>
    %reduce_sum3A_7 = vector.multi_reduction <add>, %get3A_1, %reduce_sum3A_6 [1] : vector<1024x1000xf32> to vector<1024xf32>
    %slice3A = vector.extract_strided_slice %get3A_1 {offsets = [0, 0], sizes = [1024, 1], strides = [1, 1]} : vector<1024x1000xf32> to vector<1024x1xf32>
    %squeeze3A = vector.shape_cast %slice3A : vector<1024x1xf32> to vector<1024xf32>
    %reduce_max3A = arith.constant dense<0xFF800000> : vector<1024xf32>
    %reduce_max3A_8 = vector.multi_reduction <maximumf>, %get3A_4, %reduce_max3A [1] : vector<1024x1000xf32> to vector<1024xf32>
    %broadcast_in_dim3A = vector.shape_cast %reduce_max3A_8 : vector<1024xf32> to vector<1024x1xf32>
    %eq3A = vector.broadcast %broadcast_in_dim3A : vector<1024x1xf32> to vector<1024x1000xf32>
    %eq3A_9 = arith.cmpf oeq, %get3A_4, %eq3A : vector<1024x1000xf32>
    %jit3A = arith.constant 0.000000e+00 : f32
    %broadcast_in_dim3A_10 = vector.broadcast %jit3A : f32 to vector<1024x1000xf32>
    %select_n3A = arith.select %eq3A_9, %get3A_1, %broadcast_in_dim3A_10 : vector<1024x1000xi1>, vector<1024x1000xf32>
    %reduce_sum3A_11 = arith.constant dense<0.000000e+00> : vector<1024xf32>
    %reduce_sum3A_12 = vector.multi_reduction <add>, %select_n3A, %reduce_sum3A_11 [1] : vector<1024x1000xf32> to vector<1024xf32>
    %slice3A_13 = vector.extract_strided_slice %eq3A_9 {offsets = [0, 0], sizes = [1024, 1], strides = [1, 1]} : vector<1024x1000xi1> to vector<1024x1xi1>
    %squeeze3A_14 = vector.shape_cast %slice3A_13 : vector<1024x1xi1> to vector<1024xi1>
    %mul3A = arith.constant 0.899999976 : f32
    %mul3A_15 = vector.broadcast %mul3A : f32 to vector<1024xf32>
    %mul3A_16 = arith.mulf %mul3A_15, %reduce_sum3A_12 : vector<1024xf32>
    %sub3A = arith.constant -1.01565826 : f32
    %sub3A_17 = vector.broadcast %sub3A : f32 to vector<1024xf32>
    %sub3A_18 = arith.subf %sub3A_17, %mul3A_16 : vector<1024xf32>
    %sub3A_19 = arith.subf %reduce_sum3A_7, %squeeze3A : vector<1024xf32>
    %sub3A_20 = arith.subf %sub3A_19, %reduce_sum3A_12 : vector<1024xf32>
    %mul3A_21 = arith.constant 1.00200399E-4 : f32
    %mul3A_22 = vector.broadcast %mul3A_21 : f32 to vector<1024xf32>
    %mul3A_23 = arith.mulf %mul3A_22, %sub3A_20 : vector<1024xf32>
    %sub3A_24 = arith.subf %sub3A_18, %mul3A_23 : vector<1024xf32>
    %add3A = arith.addf %log3A, %sub3A_24 : vector<1024xf32>
    %jit3A_25 = arith.constant 0.000000e+00 : f32
    %broadcast_in_dim3A_26 = vector.broadcast %jit3A_25 : f32 to vector<1024xf32>
    %select_n3A_27 = arith.select %squeeze3A_14, %broadcast_in_dim3A_26, %add3A : vector<1024xi1>, vector<1024xf32>
    %reduce_sum3A_28 = vector.shape_cast %select_n3A_27 : vector<1024xf32> to vector<1x1024xf32>
    %reduce_sum3A_29 = arith.constant dense<0.000000e+00> : vector<1xf32>
    %reduce_sum3A_30 = vector.multi_reduction <add>, %reduce_sum3A_28, %reduce_sum3A_29 [1] : vector<1x1024xf32> to vector<1xf32>
    %reduce_sum3A_31 = vector.shape_cast %reduce_sum3A_30 : vector<1xf32> to vector<1x1xf32>
    %reduce_sum3A_32 = vector.extract %reduce_sum3A_31[0, 0] : f32 from vector<1x1xf32>
    %eq3A_33 = arith.constant 0 : i32
    %eq3A_34 = arith.cmpi eq, %arg0, %eq3A_33 : i32
    %convert_element_type3A = arith.extui %eq3A_34 : i1 to i32
    %cond3A = arith.constant 0 : i32
    %cond3A_35 = arith.cmpi ne, %convert_element_type3A, %cond3A : i32
    scf.if %cond3A_35 {
      %swap3A_42 = arith.constant 0.000000e+00 : f32
      %swap3A_43 = arith.constant 0 : index
      %swap3A_44 = arith.constant 0 : index
      %swap3A_45 = memref.load %arg3[%swap3A_43, %swap3A_44] : memref<1x1xf32, #tpu.memory_space<smem>>
      memref.store %swap3A_42, %arg3[%swap3A_43, %swap3A_44] : memref<1x1xf32, #tpu.memory_space<smem>>
    } else {
    }
    %get3A_36 = arith.constant 0 : index
    %get3A_37 = arith.constant 0 : index
    %get3A_38 = memref.load %arg3[%get3A_36, %get3A_37] : memref<1x1xf32, #tpu.memory_space<smem>>
    %add3A_39 = arith.addf %get3A_38, %reduce_sum3A_32 : f32
    %swap3A = arith.constant 0 : index
    %swap3A_40 = arith.constant 0 : index
    %swap3A_41 = memref.load %arg3[%swap3A, %swap3A_40] : memref<1x1xf32, #tpu.memory_space<smem>>
    memref.store %add3A_39, %arg3[%swap3A, %swap3A_40] : memref<1x1xf32, #tpu.memory_space<smem>>
    return
  }
  func.func @transform_0(%arg0: i32) -> (i32, i32) {
    %c0_i32 = arith.constant 0 : i32
    %c0_i32_0 = arith.constant 0 : i32
    return %arg0, %c0_i32 : i32, i32
  }
  func.func @transform_1(%arg0: i32) -> (i32, i32) {
    %c0_i32 = arith.constant 0 : i32
    %c0_i32_0 = arith.constant 0 : i32
    return %arg0, %c0_i32 : i32, i32
  }
  func.func @transform_2(%arg0: i32) -> (i32, i32) {
    %c0_i32 = arith.constant 0 : i32
    %c0_i32_0 = arith.constant 0 : i32
    %c0_i32_1 = arith.constant 0 : i32
    return %c0_i32, %c0_i32_0 : i32, i32
  }
}

module attributes {stable_mosaic.version = 14 : i64} {
  func.func @_finish_body(%arg0: memref<32x128xf32, #tpu.memory_space<vmem>>, %arg1: memref<4x128xf32, #tpu.memory_space<vmem>>, %arg2: memref<1x1xf32, #tpu.memory_space<smem>>, %arg3: memref<1x1xf32, #tpu.memory_space<smem>>) attributes {dimension_semantics = [], scalar_prefetch = 0 : i64, scratch_operands = 0 : i64, tpu.core_type = #tpu.core_type<tc>} {
    %get3A = arith.constant 0 : index
    %get3A_0 = arith.constant 0 : index
    %get3A_1 = vector.load %arg0[%get3A, %get3A_0] : memref<32x128xf32, #tpu.memory_space<vmem>>, vector<32x128xf32>
    %log3A = math.log %get3A_1 : vector<32x128xf32>
    %reduce_sum3A = vector.shape_cast %log3A : vector<32x128xf32> to vector<1x32x128xf32>
    %reduce_sum3A_2 = arith.constant dense<0.000000e+00> : vector<1xf32>
    %reduce_sum3A_3 = vector.multi_reduction <add>, %reduce_sum3A, %reduce_sum3A_2 [1, 2] : vector<1x32x128xf32> to vector<1xf32>
    %reduce_sum3A_4 = vector.shape_cast %reduce_sum3A_3 : vector<1xf32> to vector<1x1x1xf32>
    %reduce_sum3A_5 = vector.extract %reduce_sum3A_4[0, 0, 0] : f32 from vector<1x1x1xf32>
    %get3A_6 = arith.constant 0 : index
    %get3A_7 = arith.constant 0 : index
    %get3A_8 = vector.load %arg1[%get3A_6, %get3A_7] : memref<4x128xf32, #tpu.memory_space<vmem>>, vector<4x128xf32>
    %reduce_sum3A_9 = vector.shape_cast %get3A_8 : vector<4x128xf32> to vector<1x4x128xf32>
    %reduce_sum3A_10 = arith.constant dense<0.000000e+00> : vector<1xf32>
    %reduce_sum3A_11 = vector.multi_reduction <add>, %reduce_sum3A_9, %reduce_sum3A_10 [1, 2] : vector<1x4x128xf32> to vector<1xf32>
    %reduce_sum3A_12 = vector.shape_cast %reduce_sum3A_11 : vector<1xf32> to vector<1x1x1xf32>
    %reduce_sum3A_13 = vector.extract %reduce_sum3A_12[0, 0, 0] : f32 from vector<1x1x1xf32>
    %add3A = arith.addf %reduce_sum3A_5, %reduce_sum3A_13 : f32
    %get3A_14 = arith.constant 0 : index
    %get3A_15 = arith.constant 0 : index
    %get3A_16 = memref.load %arg2[%get3A_14, %get3A_15] : memref<1x1xf32, #tpu.memory_space<smem>>
    %add3A_17 = arith.addf %add3A, %get3A_16 : f32
    %swap3A = arith.constant 0 : index
    %swap3A_18 = arith.constant 0 : index
    %swap3A_19 = memref.load %arg3[%swap3A, %swap3A_18] : memref<1x1xf32, #tpu.memory_space<smem>>
    memref.store %add3A_17, %arg3[%swap3A, %swap3A_18] : memref<1x1xf32, #tpu.memory_space<smem>>
    return
  }
}

</mosaic_0001>

<sc_bundles>
// kernel: kernel.5.cloned.1.call-start
scs
__scs_entry_jumppad:
0x0: {  	(pc) =	sbr.rel $0x88, $3  }
0x1: {  	(tag) =	ssettag $0x0;
	lr =	simm.s32 $0x1  }
0x2: {  	[smem:$0x3F9F] =	sst lr;
	_ =	strace $0xD0000000  }
0x3: {  	_ = 	snop  }
0x4: {  	_ = 	snop  }
0x5: {  	_ = 	snop  }
0x6: {  	_ = 	snop  }
0x7: {  	_ = 	snop  }
__scs_overlays_trampoline_lowered:
0x8: {  	[smem:$0x3FAE] =	sst s0  }
0x9: {  	[smem:$0x3FAF] =	sst s1  }
0xa: {  	[smem:$0x3FB0] =	sst s2  }
0xb: {  	[smem:$0x3FB1] =	sst s3  }
0xc: {  	[smem:$0x3FB2] =	sst s4  }
0xd: {  	[smem:$0x3FB3] =	sst s5  }
0xe: {  	[smem:$0x3FB4] =	sst s6  }
0xf: {  	[smem:$0x3FB5] =	sst s7  }
0x10: {  	[smem:$0x3FB6] =	sst s8  }
0x11: {  	[smem:$0x3FB7] =	sst s9;
	s0 =	simm.s32 @!p0 $0x0  }
0x12: {  	s1 =	sld [smem:$0x3F9D];
	s0 =	simm.s32 @p0 $0x1  }
0x13: {  	[smem:$0x3FB8] =	sst s0;
	s0 =	simm.s32 @!p1 $0x0  }
0x14: {  	s2 =	sld [smem:$0x3F9C];
	s0 =	simm.s32 @p1 $0x1  }
0x15: {  	[smem:$0x3FB9] =	sst s0;
	s0 =	simm.s32 @!p2 $0x0  }
0x16: {  	s3 =	sld [smem:$0x3FDB];
	s0 =	simm.s32 @p2 $0x1  }
0x17: {  	s4 =	simm.s32 $0x1BF5;
	[smem:$0x3FBB] =	sst s0  }
0x18: {  	s0 =	sld [smem:$0x3F9E];
	_ =	swait.ge [sflag:s4], $0x0  }
0x19: {  	s7 =	sld [smem:$0x3F9F]  }
0x1a: {  	s8 =	sadd.s32 $0xFFFFE003, lr  }
0x1b: {  	s9 =	sadd.s32 $0xFFFFFEF7, lr;
	s5 =	simm.s32 $0xFFFFFFFF;
	p2 =	slt.u32 s8, $0xFFFFF086  }
0x1c: {  	p1 =	slt.u32 s9, $0xF7A;
	s5 =	simm.s32 @!p2 $0x0  }
0x1d: {  	s5 =	simm.s32 @p1 $0x1;
	p0 =	seq.s32 s7, s2  }
0x1e: {  	s7 =	smul.u32 @!p0 $0xF7A, s2;
	p2 =	seq.s32 @!p0 s5, $0x0  }
0x1f: {  	s9 =	smul.u32 $0xF7A, s1;
	s8 =	simm.s32 @!p0 $0x1BF5;
	p2 =	por !p2, p0  }
0x20: {  	[sflag:s8] =	ssyncset.s32 @!p0 $0xFFFFF086;
	s6 =	sadd.s32 @!p0 s3, s7;
	s7 =	simm.s32 @!p0 $0x108  }
0x21: {  	s3 =	sadd.s32 s3, s9;
	s6 =	sadd.s32 @!p0 $0x88, s6;
	s7 =	simm.s32 @p2 $0x1082  }
0x22: {  	[simem:s7], [sflag:s8] =	dma.local @!p0 [hbm:s6], $0xF7A  }
0x23: {  	s9 =	sor.u32 $0xD0000000, s2;
	s6 =	simm.s32 $0x108;
	_ =	swait.ge @!p0 [sflag:s8], $0x0  }
0x24: {  	s3 =	sadd.s32 $0x88, s3;
	s6 =	simm.s32 @!p1 $0x1082;
	[sflag:s4] =	ssyncset.s32 $0xFFFFF086  }
0x25: {  	[simem:s6], [sflag:s4] =	dma.local [hbm:s3], $0xF7A  }
0x26: {  	[smem:$0x3F9F] =	sst s1;
	(tag) =	ssettag s2;
	_ =	strace s9  }
0x27: {  	s1 =	sld [smem:$0x3FAF]  }
0x28: {  	s2 =	sld [smem:$0x3FB0]  }
0x29: {  	s4 =	sld [smem:$0x3FB2]  }
0x2a: {  	p0 =	seq.s32 s5, $0x0;
	s5 =	sld [smem:$0x3FB3]  }
0x2b: {  	s6 =	sld [smem:$0x3FB4]  }
0x2c: {  	s7 =	sld [smem:$0x3FB5]  }
0x2d: {  	s3 =	simm.s32 $0x108;
	s8 =	sld [smem:$0x3FB6]  }
0x2e: {  	s3 =	simm.s32 @!p0 $0x1082;
	s9 =	sld [smem:$0x3FB7]  }
0x2f: {  	lr =	sadd.s32 s0, s3;
	s0 =	sld [smem:$0x3FAE]  }
0x30: {  	s3 =	sld [smem:$0x3FB1]  }
0x31: {  	[smem:$0x3FBA] =	sst s10  }
0x32: {  	s10 =	sld [smem:$0x3FB8];
	_ =	sdelay $0x3  }
0x33: {  	p0 =	seq.s32 s10, $0x1;
	s10 =	sld [smem:$0x3FBA];
	_ =	sdelay $0x3  }
0x34: {  	[smem:$0x3FBA] =	sst s10  }
0x35: {  	s10 =	sld [smem:$0x3FB9];
	_ =	sdelay $0x3  }
0x36: {  	p1 =	seq.s32 s10, $0x1;
	s10 =	sld [smem:$0x3FBA];
	_ =	sdelay $0x3  }
0x37: {  	[smem:$0x3FBA] =	sst s10  }
0x38: {  	s10 =	sld [smem:$0x3FBB]  }
0x39: {  	_ = 	snop;
	(pc) =	sbr.ind lr, $3  }
0x3a: {  	_ = 	snop  }
0x3b: {  	_ = 	snop  }
0x3c: {  	p2 =	seq.s32 s10, $0x1;
	s10 =	sld [smem:$0x3FBA]  }
0x3d: {  	_ =	shalt  }
0x3e: {  	_ =	shalt  }
0x3f: {  	_ =	shalt  }
0x40: {  	_ =	shalt  }
0x41: {  	_ =	shalt  }
0x42: {  	_ =	shalt  }
0x43: {  	_ =	shalt  }
0x44: {  	_ =	shalt  }
0x45: {  	_ =	shalt  }
0x46: {  	_ =	shalt  }
0x47: {  	_ =	shalt  }
0x48: {  	_ =	shalt  }
0x49: {  	_ =	shalt  }
0x4a: {  	_ =	shalt  }
0x4b: {  	_ =	shalt  }
0x4c: {  	_ =	shalt  }
0x4d: {  	_ =	shalt  }
0x4e: {  	_ =	shalt  }
0x4f: {  	_ =	shalt  }
0x50: {  	_ =	shalt  }
0x51: {  	_ =	shalt  }
0x52: {  	_ =	shalt  }
0x53: {  	_ =	shalt  }
0x54: {  	_ =	shalt  }
0x55: {  	_ =	shalt  }
0x56: {  	_ =	shalt  }
0x57: {  	_ =	shalt  }
0x58: {  	_ =	shalt  }
0x59: {  	_ =	shalt  }
0x5a: {  	_ =	shalt  }
0x5b: {  	_ =	shalt  }
0x5c: {  	_ =	shalt  }
0x5d: {  	_ =	shalt  }
0x5e: {  	_ =	shalt  }
0x5f: {  	_ =	shalt  }
0x60: {  	_ =	shalt  }
0x61: {  	_ =	shalt  }
0x62: {  	_ =	shalt  }
0x63: {  	_ =	shalt  }
0x64: {  	_ =	shalt  }
0x65: {  	_ =	shalt  }
0x66: {  	_ =	shalt  }
0x67: {  	_ =	shalt  }
0x68: {  	_ =	shalt  }
0x69: {  	_ =	shalt  }
0x6a: {  	_ =	shalt  }
0x6b: {  	_ =	shalt  }
0x6c: {  	_ =	shalt  }
0x6d: {  	_ =	shalt  }
0x6e: {  	_ =	shalt  }
0x6f: {  	_ =	shalt  }
0x70: {  	_ =	shalt  }
0x71: {  	_ =	shalt  }
0x72: {  	_ =	shalt  }
0x73: {  	_ =	shalt  }
0x74: {  	_ =	shalt  }
0x75: {  	_ =	shalt  }
0x76: {  	_ =	shalt  }
0x77: {  	_ =	shalt  }
0x78: {  	_ =	shalt  }
0x79: {  	_ =	shalt  }
0x7a: {  	_ =	shalt  }
0x7b: {  	_ =	shalt  }
0x7c: {  	_ =	shalt  }
0x7d: {  	_ =	shalt  }
0x7e: {  	_ =	shalt  }
0x7f: {  	_ =	shalt  }
0x80: {  	_ =	shalt  }
0x81: {  	_ =	shalt  }
0x82: {  	_ =	shalt  }
0x83: {  	_ =	shalt  }
0x84: {  	_ =	shalt  }
0x85: {  	_ =	shalt  }
0x86: {  	_ =	shalt  }
0x87: {  	_ =	shalt  }
.Lfunc_end0:
.L_simem_size_0:
called_computation_lowered:
.L_overlay_start_0:
0x88: {  	s2 =	sld [smem:$0x3FD9]  }
0x89: {  	s3 =	sld [smem:$0x3FFE];
	_ =	sdelay $0x1  }
0x8a: {  	s1 =	srdreg.scid  }
0x8b: {  	s0 =	sand.u32 $0x1, s1  }
0x8c: {  	s16 =	sshll.u32 s0, $0xA;
	s2 =	sadd.s32 s3, s2  }
0x8d: {  	s2 =	sadd.s32 s2, s16  }
0x8e: {  	[smem:$0x3FC6] =	sst s2  }
0x8f: {  	_ = 	snop  }
0x90: {  	(tm) =	ssettm $0x1  }
0x91: {  	s17 =	sld [smem:$0x3FFB];
	_ =	sdelay $0x3  }
0x92: {  	_ =	strace s17  }
0x93: {  	s2 =	sld [smem:$0x3FFC];
	_ =	sdelay $0x3  }
0x94: {  	_ =	strace s2  }
0x95: {  	s2 =	sld [smem:$0x3FFD];
	_ =	sdelay $0x3  }
0x96: {  	_ =	strace s2  }
0x97: {  	_ =	strace $0x8FFFFFFF  }
0x98: {  	s18 =	sld [smem:$0x3FDB];
	_ =	sdelay $0x1  }
0x99: {  	s19 =	simm.s32 $_scs_section_size  }
0x9a: {  	s4 =	simm.s32 $_size__tile_overlayer_lowered;
	s5 =	simm.s32 $_tile_overlayer_lowered  }
0x9b: {  	s22 =	simm.s32 $0x1BFF;
	s21 =	sshll.u32 s5, $0x1;
	s2 =	sadd.s32 s19, s18  }
0x9c: {  	s6 =	simm.s32 $0x0;
	s20 =	sshll.u32 s4, $0x1;
	s4 =	sadd.s32 s21, s2  }
0x9d: {  	[timem:s6], [sflag:s22] =	dma.local [hbm:s4], s20  }
0x9e: {  	_ =	swait.ge [sflag:s22], s20  }
0x9f: {  	s3 =	ssub.s32 $0x0, s20;
	[sflag:s22] =	ssyncset.done $0x0  }
0xa0: {  	[sflag:s22] =	ssyncadd.s32 s3;
	_ =	sdelay $0x1  }
0xa1: {  	s23 =	simm.s32 $0x1B8B  }
0xa2: {  	_ =	swait.ge [sflag:s23], $0x1  }
0xa3: {  	[sflag:s23] =	ssyncset.done $0x0  }
0xa4: {  	s25 =	simm.s32 $0x1B8E;
	s24 =	sld [smem:$0x3FFE];
	[sflag:s23] =	ssyncadd.s32 $0xFFFFFFFF  }
0xa5: {  	s26 =	simm.s32 $execute0_lowered;
	[smem:$0x3FD2] =	sst s25  }
0xa6: {  	s4 =	sshll.u32 s26, $0x1;
	_ =	strace $0x80000046;
	[dreg:$0x1] =	wrdreg $0xFFFFFFFF  }
0xa7: {  	s28 =	simm.s32 $_size_execute0_lowered;
	s2 =	sadd.s32 s2, s4;
	[dreg:$0x0] =	wrdreg $0x0  }
0xa8: {  	s4 =	sshll.u32 s28, $0x1;
	[dreg:$0x2] =	wrdreg s2  }
0xa9: {  	[dreg:$0x3] =	wrdreg s4  }
0xaa: {  	[dreg:$0x4] =	wrdreg $0xC0  }
0xab: {  	_ =	task [dreg:s6], $0x5FFFF  }
0xac: {  	[dreg:$0x1] =	wrdreg $0xFFFFFFFF  }
0xad: {  	[dreg:$0x0] =	wrdreg $0x60  }
0xae: {  	[dreg:$0x2] =	wrdreg s24  }
0xaf: {  	[dreg:$0x3] =	wrdreg $0x9  }
0xb0: {  	_ =	task.clear_ibuf [dreg:s6], $0x4FFFF;
	_ =	strace $0x90000046  }
0xb1: {  	s29 =	simm.s32 $0x9;
	_ =	strace $0x80000048  }
0xb2: {  	_ =	swait.ge [sflag:s29], $0x1  }
0xb3: {  	[sflag:s29] =	ssyncadd.s32 $0xFFFFFFFF  }
0xb4: {  	_ =	strace $0x90000048  }
0xb5: {  	_ =	sfence  }
0xb6: {  	s30 =	sld [smem:$0x0];
	_ =	sdelay $0x2  }
0xb7: {  	s31 =	sshll.u32 s1, $0xD;
	s1 =	sshrl.u32 s1, $0x2  }
0xb8: {  	s3 =	sand.u32 $0x4000, s31;
	s1 =	sadd.s32 s1, s30  }
0xb9: {  	s0 =	sor.u32 s3, s0;
	s1 =	sshll.u32 s1, $0x11  }
0xba: {  	s0 =	sor.u32 s1, s0  }
0xbb: {  	s0 =	sadd.s32 $0x8F2B, s0  }
0xbc: {  	[sflag:s0] =	ssyncadd.remote.s32 $0x1  }
0xbd: {  	_ =	sfence.sel $0xFFFF  }
0xbe: {  	[dreg:$0x0] =	wrdreg $0xFFFFFFFF;
	(pc) =	sbr.abs _section_cstart, $3  }
0xbf: {  	[dreg:$0x1] =	wrdreg $0xFFFFFFFF  }
0xc0: {  	_ =	task.clear_ibuf [dreg:s6], $0x2FFFF;
	_ =	strace $0x9FFFFFFF  }
0xc1: {  	(tm) =	ssettm $0x7FFFFFFF  }
tec
execute0_lowered:
.L_overlay_start_1:
0x0: {  	(tag) =	ssettag $0x1  }
0x1: {  	s5 =	rddreg [dreg:$0x0]  }
0x2: {  	s0 =	rddreg [dreg:$0x1];
	s2 =	simm.s32 $0x0;
	s3 =	srdreg.scid  }
0x3: {  	s1 =	stileid.u32;
	s14 =	simm.s32 $0x7D00;
	s15 =	simm.s32 $0x3E80  }
0x4: {  	s16 =	simm.s32 $0xBB80;
	s17 =	simm.s32 $0x1;
	s18 =	simm.s32 $0x3  }
0x5: {  	s19 =	simm.s32 $0x2;
	s20 =	simm.s32 $0x4;
	s21 =	simm.s32 $0xFA00  }
0x6: {  	s22 =	simm.s32 $0x5;
	s23 =	simm.s32 $0xFA80;
	s24 =	simm.s32 $0x0  }
0x7: {  	[smem:$0x7FF] =	sst s2;
	s6 =	sand.u32 $0x1, s3;
	s7 =	sshll.u32 s1, $0x1  }
0x8: {  	s3 =	sadd.s32 $0x1400, s5;
	s4 =	sadd.s32 $0x7E400, s5;
	s7 =	sor.u32 s6, s7  }
0x9: {  	_ =	strace $0x80000047;
	s6 =	ssub.s32 $0x2, s6;
	s8 =	sshll.u32 s7, $0x4  }
0xa: {  	s10 =	smul.u32 $0x1F400, s7;
	s7 =	sshll.u32 s7, $0x1;
	s29 =	sshrl.u32 s6, $0x1  }
.Ltmp0:
0xb: {  	s11 =	sadd.s32 s8, s5;
	s12 =	sadd.s32 s7, s5;
	(pc) =	sbr.rel .LBB2_1-.Ltmp0, $4  }
0xc: {  	s13 =	ssub.s32 s6, s29;
	s30 =	sshrl.u32 s10, $0x3;
	s9 =	sadd.s32 $0x7D00, s10  }
0xd: {  	s10 =	sadd.s32 $0xBB80, s10;
	s11 =	sadd.s32 $0xFB400, s11;
	s12 =	sadd.s32 $0xFB600, s12  }
0xe: {  	v0 =	vlaneseq.u32;
	s13 =	smax.u32 s13, $0x1;
	s5 =	sadd.s32 s3, s30;
	s31 =	sadd.s32 $0x7D0, s30  }
0xf: {  	v1 =	vimm.f32 $0.0e+00;
	v0 =	vmul.u32 $0x3E8, v0;
	s6 =	sadd.s32 s4, s30;
	s7 =	sadd.s32 s3, s31;
	s8 =	sadd.s32 s4, s31  }
.LBB2_8:
0x10: {  	[tilespmem:$0xFA80] =	vst v3  }
0x11: {  	[hbm4b:s11+s2] =	stream.linear.scatter [tilespmem:s21], [sflag:$0x5], $0x80, $0x38;
	[tilespmem:$0xFB00] =	vst v63  }
0x12: {  	s24 =	sadd.s32 $0x1, s24;
	_ =	swait.ge [sflag:s22], $0x80  }
0x13: {  	p0 =	sne.s32 s24, s13;
	[sflag:s22] =	ssyncset.done $0x0  }
.Ltmp1:
0x14: {  	[sflag:s22] =	ssyncadd.s32 $0xFFFFFF80;
	(pc) =	sbr.rel @!p0 .LBB2_9-.Ltmp1, $4  }
0x15: {  	[hbm4b:s12+s2] =	stream.linear.scatter [tilespmem:s23], [sflag:$0x5], $0x10, $0x38;
	[tilespmem:$0xFB00] =	vst v63  }
0x16: {  	_ =	swait.ge [sflag:s22], $0x10  }
0x17: {  	[sflag:s22] =	ssyncset.done $0x0  }
0x18: {  	[sflag:s22] =	ssyncadd.s32 $0xFFFFFFF0  }
.LBB2_1:
0x19: {  	[tilespmem:s2], [sflag:$0x1] =	stream.linear.gather [hbm4b:s5+s2], $0x3E80, $0x38;
	[tilespmem:$0xFB00] =	vst v63  }
0x1a: {  	_ = 	snop  }
0x1b: {  	[tilespmem:s14], [sflag:$0x3] =	stream.linear.gather [hbm4b:s6+s2], $0x3E80, $0x38;
	[tilespmem:$0xFB00] =	vst v63  }
0x1c: {  	_ = 	snop  }
0x1d: {  	[tilespmem:s15], [sflag:$0x2] =	stream.linear.gather [hbm4b:s7+s2], $0x3E80, $0x38;
	[tilespmem:$0xFB00] =	vst v63  }
0x1e: {  	s25 =	simm.s32 $0x0  }
0x1f: {  	v3 =	vimm.f32 $0.0e+00;
	[tilespmem:s16], [sflag:$0x4] =	stream.linear.gather [hbm4b:s8+s2], $0x3E80, $0x38;
	[tilespmem:$0xFB00] =	vst v63  }
.LBB2_2:
0x20: {  	_ =	swait.ge [sflag:s17], $0x3E80  }
0x21: {  	[sflag:s17] =	ssyncset.done $0x0  }
0x22: {  	v9 =	vor.u32 $0x6, v0;
	[sflag:s17] =	ssyncadd.s32 $0xFFFFC180  }
0x23: {  	_ =	swait.ge [sflag:s18], $0x3E80  }
0x24: {  	[sflag:s18] =	ssyncset.done $0x0  }
0x25: {  	v6 =	vor.u32 $0x3, v0;
	[sflag:s18] =	ssyncadd.s32 $0xFFFFC180  }
0x26: {  	v5 =	vor.u32 $0x2, v0;
	v2 =	vld.idx.msk [tilespmem:v0+s2+$0x0], $0xffff  }
0x27: {  	v8 =	vor.u32 $0x7, v0;
	v15 =	vld.idx.msk [tilespmem:v9+s2+$0x0], $0xffff  }
0x28: {  	v7 =	vor.u32 $0x1, v0;
	v12 =	vld.idx.msk [tilespmem:v0+s14+$0x0], $0xffff  }
0x29: {  	v13 =	vld.idx.msk [tilespmem:v9+s14+$0x0], $0xffff  }
0x2a: {  	v4 =	vor.u32 $0x4, v0;
	v16 =	vld.idx.msk [tilespmem:v6+s14+$0x0], $0xffff  }
0x2b: {  	v18 =	vld.idx.msk [tilespmem:v5+s14+$0x0], $0xffff  }
0x2c: {  	v22 =	vimm.f32 $-Inf;
	v23 =	vadd.s32 $0x8, v0;
	v11 =	vld.idx.msk [tilespmem:v8+s2+$0x0], $0xffff  }
0x2d: {  	v32 =	vor.u32 $0x6, v23;
	v25 =	vor.u32 $0x3, v23;
	v34 =	vor.u32 $0x1, v23;
	v28 =	vld.idx.msk [tilespmem:v7+s14+$0x0], $0xffff  }
0x2e: {  	v36 =	vor.u32 $0x2, v23;
	v37 =	vor.u32 $0x4, v23;
	v42 =	vor.u32 $0x7, v23;
	v31 =	vld.idx.msk [tilespmem:v5+s2+$0x0], $0xffff  }
0x2f: {  	v21 =	vld.idx.msk [tilespmem:v4+s14+$0x0], $0xffff;
	vm0 =	vgt.f32 v12, v22;
	v17 =	vmul.f32 $1.442695020e+00, v15;
	v14 =	vmul.f32 $1.442695020e+00, v2  }
0x30: {  	v19 =	vld.idx.msk [tilespmem:v8+s14+$0x0], $0xffff;
	v10 =	vadd.f32 v2, v1;
	v12 =	vmax.f32 v22, v12;
	vm2 =	vgt.f32 v16, v22  }
0x31: {  	v27 =	vld.idx.msk [tilespmem:v6+s2+$0x0], $0xffff;
	v30 =	vmax.f32 v22, v18;
	v16 =	vmax.f32 v22, v16;
	v26 =	vmul.f32 $1.442695020e+00, v11  }
0x32: {  	vm4 =	vgt.f32 v18, v22;
	v24 =	vsel vm0, v2, v1;
	v2 =	vor.u32 $0x5, v0  }
0x33: {  	vm1 =	vgt.f32 v28, v22;
	v35 =	vadd.f32 v31, v1;
	(erf) = vpow2.f32 v14  }
0x34: {  	v41 =	vmax.f32 v22, v28;
	v20 =	vmax.f32 v12, v21;
	(erf) = vpow2.f32 v17;
	v17 =	vld.idx.msk [tilespmem:v4+s2+$0x0], $0xffff  }
0x35: {  	vm3 =	vgt.f32 v13, v30;
	vm0 =	vgt.f32 v19, v16;
	(erf) = vpow2.f32 v26  }
0x36: {  	v19 =	vmax.f32 v16, v19;
	v16 =	vmul.f32 $1.442695020e+00, v27;
	vm5 =	vgt.f32 v21, v12;
	v14 =	vld.idx.msk [tilespmem:v7+s2+$0x0], $0xffff  }
0x37: {  	v29 =	vsel vm2, v27, v1;
	v12 =	vmul.f32 $1.442695020e+00, v31;
	v13 =	vmax.f32 v30, v13;
	v18 =	vld.idx.msk [tilespmem:v2+s2+$0x0], $0xffff  }
0x38: {  	v30 =	vimm.f32 $0.0e+00;
	v26 =	vadd.f32 v27, v1;
	(erf) = vpow2.f32 v16  }
0x39: {  	v40 =	vld.idx.msk [tilespmem:v23+s14+$0x0], $0xffff;
	v16 =	vsel vm4, v31, v1;
	v31 =	vimm.f32 $0.0e+00;
	v28 =	vmul.f32 $1.442695020e+00, v17  }
0x3a: {  	(erf) = vpow2.f32 v12;
	v12 =	vsel vm3, v15, v16;
	v43 =	vld.idx.msk [tilespmem:v2+s14+$0x0], $0xffff;
	v16 =	vadd.f32 v15, v35  }
0x3b: {  	v33 =	vmul.f32 $1.442695020e+00, v14;
	v27 =	vsel vm5, v17, v24;
	v24 =	vld.idx.msk [tilespmem:v32+s2+$0x0], $0xffff;
	(erf) = vpow2.f32 v28  }
0x3c: {  	v22 =	vld.idx.msk [tilespmem:v23+s2+$0x0], $0xffff;
	v15 =	vimm.f32 $0.0e+00;
	v21 =	vadd.f32 v14, v1;
	v44 =	vmul.f32 $1.442695020e+00, v18;
	v39 =	vpop (erf)  }
0x3d: {  	s26 =	simm.s32 $0x7B;
	v28 =	vimm.f32 $0.0e+00;
	(erf) = vpow2.f32 v33;
	v33 =	vimm.f32 $0.0e+00;
	v38 =	vpop (erf)  }
.LBB2_3:
0x3e: {  	p0 =	sne.s32 s26, $0x1;
	s26 =	sadd.s32 $0xFFFFFFFF, s26;
	v29 =	vsel vm0, v11, v29;
	v26 =	vadd.f32 v11, v26;
	(erf) = vpow2.f32 v44;
	v35 =	vpop (erf)  }
0x3f: {  	v46 =	vsel vm1, v14, v15;
	vm0 =	vgt.f32 v43, v41;
	v41 =	vmax.f32 v41, v43;
	v44 =	vld.idx.msk [tilespmem:v32+s14+$0x0], $0xffff  }
0x40: {  	v10 =	vadd.f32 v17, v10;
	v43 =	vmul.f32 $1.442695020e+00, v24;
	v15 =	vsel vm0, v18, v46;
	v45 =	vmovc v24;
	v32 =	vld.idx.msk [tilespmem:v25+s14+$0x0], $0xffff  }
0x41: {  	v14 =	vmul.f32 $1.442695020e+00, v22;
	v21 =	vadd.f32 v18, v21;
	vm0 =	vgt.f32 v40, v20;
	v24 =	vld.idx.msk [tilespmem:v36+s14+$0x0], $0xffff;
	v11 =	vpop (erf)  }
0x42: {  	v10 =	vadd.f32 v22, v10;
	v27 =	vsel vm0, v22, v27;
	v22 =	vld.idx.msk [tilespmem:v37+s14+$0x0], $0xffff;
	v47 =	vadd.f32 v11, v30  }
0x43: {  	v18 =	vadd.f32 v39, v33;
	v11 =	vld.idx.msk [tilespmem:v42+s2+$0x0], $0xffff;
	v30 =	vpop (erf)  }
0x44: {  	v46 =	vor.u32 $0x5, v23;
	v39 =	vld.idx.msk [tilespmem:v42+s14+$0x0], $0xffff;
	v31 =	vadd.f32 v30, v31;
	v30 =	vadd.f32 v35, v47;
	v17 =	vpop (erf)  }
0x45: {  	v23 =	vadd.s32 $0x8, v23;
	v35 =	vmax.f32 v20, v40;
	v40 =	vld.idx.msk [tilespmem:v25+s2+$0x0], $0xffff;
	(erf) = vpow2.f32 v14  }
0x46: {  	vm3 =	vgt.f32 v32, v19;
	v33 =	vadd.f32 v17, v18;
	v42 =	vld.idx.msk [tilespmem:v34+s14+$0x0], $0xffff;
	v31 =	vadd.f32 v38, v31;
	v17 =	vpop (erf)  }
0x47: {  	v19 =	vmax.f32 v19, v32;
	v14 =	vld.idx.msk [tilespmem:v34+s2+$0x0], $0xffff;
	v34 =	vmax.f32 v13, v24;
	v18 =	vadd.f32 v17, v28;
	v25 =	vpop (erf)  }
0x48: {  	v32 =	vor.u32 $0x6, v23;
	v20 =	vmax.f32 v35, v22;
	v36 =	vld.idx.msk [tilespmem:v36+s2+$0x0], $0xffff;
	(erf) = vpow2.f32 v43  }
0x49: {  	vm2 =	vgt.f32 v44, v34;
	v17 =	vld.idx.msk [tilespmem:v37+s2+$0x0], $0xffff;
	v37 =	vmul.f32 $1.442695020e+00, v11;
	v28 =	vadd.f32 v25, v18  }
0x4a: {  	v25 =	vor.u32 $0x3, v23;
	vm0 =	vgt.f32 v39, v19;
	v19 =	vmax.f32 v19, v39;
	v18 =	vld.idx.msk [tilespmem:v46+s2+$0x0], $0xffff  }
0x4b: {  	vm4 =	vgt.f32 v24, v13;
	v13 =	vmul.f32 $1.442695020e+00, v40;
	(erf) = vpow2.f32 v37  }
0x4c: {  	vm5 =	vgt.f32 v22, v35;
	v26 =	vadd.f32 v40, v26;
	vm1 =	vgt.f32 v42, v41  }
0x4d: {  	v29 =	vsel vm3, v40, v29;
	v21 =	vadd.f32 v14, v21;
	v35 =	vmul.f32 $1.442695020e+00, v14  }
0x4e: {  	v16 =	vadd.f32 v36, v16;
	v37 =	vmul.f32 $1.442695020e+00, v36;
	v22 =	vld.idx.msk [tilespmem:v23+s2+$0x0], $0xffff;
	v39 =	vpop (erf);
	(erf) = vpow2.f32 v13  }
.Ltmp2:
0x4f: {  	v41 =	vmax.f32 v41, v42;
	v12 =	vsel vm4, v36, v12;
	v42 =	vmul.f32 $1.442695020e+00, v17;
	v43 =	vld.idx.msk [tilespmem:v46+s14+$0x0], $0xffff;
	(pc) =	sbr.rel @p0 .LBB2_3-.Ltmp2, $4  }
0x50: {  	v27 =	vsel vm5, v17, v27;
	v13 =	vmax.f32 v34, v44;
	v24 =	vld.idx.msk [tilespmem:v32+s2+$0x0], $0xffff;
	(erf) = vpow2.f32 v37  }
0x51: {  	v36 =	vor.u32 $0x2, v23;
	v34 =	vor.u32 $0x1, v23;
	v40 =	vld.idx.msk [tilespmem:v23+s14+$0x0], $0xffff;
	(erf) = vpow2.f32 v42;
	v38 =	vpop (erf)  }
0x52: {  	v12 =	vsel vm2, v45, v12;
	v44 =	vmul.f32 $1.442695020e+00, v18;
	v16 =	vadd.f32 v45, v16  }
0x53: {  	v37 =	vor.u32 $0x4, v23;
	v42 =	vor.u32 $0x7, v23;
	(erf) = vpow2.f32 v35  }
0x54: {  	_ =	sdelay $0x3  }
0x55: {  	v35 =	vld.idx.msk [tilespmem:v42+s2+$0x0], $0xffff  }
0x56: {  	v23 =	vor.u32 $0x5, v23;
	v45 =	vld.idx.msk [tilespmem:v25+s2+$0x0], $0xffff  }
0x57: {  	v46 =	vld.idx.msk [tilespmem:v36+s2+$0x0], $0xffff  }
0x58: {  	v47 =	vmul.f32 $1.442695020e+00, v22;
	v48 =	vld.idx.msk [tilespmem:v37+s2+$0x0], $0xffff  }
0x59: {  	(erf) = vpow2.f32 v44;
	v49 =	vld.idx.msk [tilespmem:v34+s2+$0x0], $0xffff;
	v54 =	vmul.f32 $1.442695020e+00, v24  }
0x5a: {  	(erf) = vpow2.f32 v47;
	v55 =	vmul.f32 $1.442695020e+00, v35  }
0x5b: {  	(erf) = vpow2.f32 v54;
	v44 =	vld.idx.msk [tilespmem:v23+s2+$0x0], $0xffff;
	v50 =	vmul.f32 $1.442695020e+00, v45  }
0x5c: {  	v56 =	vmul.f32 $1.442695020e+00, v46;
	(erf) = vpow2.f32 v55  }
0x5d: {  	v51 =	vpop (erf);
	v57 =	vmul.f32 $1.442695020e+00, v48;
	(erf) = vpow2.f32 v50  }
0x5e: {  	v52 =	vpop (erf);
	v53 =	vmul.f32 $1.442695020e+00, v49;
	(erf) = vpow2.f32 v56  }
0x5f: {  	v58 =	vpop (erf);
	(erf) = vpow2.f32 v57  }
0x60: {  	v59 =	vpop (erf);
	v54 =	vmul.f32 $1.442695020e+00, v44;
	(erf) = vpow2.f32 v53  }
0x61: {  	v60 =	vpop (erf)  }
0x62: {  	v25 =	vld.idx.msk [tilespmem:v25+s14+$0x0], $0xffff;
	v55 =	vpop (erf);
	(erf) = vpow2.f32 v54  }
0x63: {  	v30 =	vadd.f32 v52, v30;
	v31 =	vadd.f32 v58, v31;
	v61 =	vpop (erf)  }
0x64: {  	v32 =	vld.idx.msk [tilespmem:v32+s14+$0x0], $0xffff;
	v33 =	vadd.f32 v39, v33;
	v62 =	vpop (erf)  }
0x65: {  	v36 =	vld.idx.msk [tilespmem:v36+s14+$0x0], $0xffff;
	vm3 =	vgt.f32 v43, v41;
	v30 =	vadd.f32 v51, v30;
	v31 =	vadd.f32 v38, v31;
	v63 =	vpop (erf)  }
0x66: {  	v34 =	vld.idx.msk [tilespmem:v34+s14+$0x0], $0xffff;
	v29 =	vsel vm0, v11, v29;
	v33 =	vadd.f32 v59, v33;
	v28 =	vadd.f32 v60, v28;
	v51 =	vpop (erf)  }
0x67: {  	v37 =	vld.idx.msk [tilespmem:v37+s14+$0x0], $0xffff;
	v11 =	vadd.f32 v11, v26;
	vm2 =	vgt.f32 v25, v19;
	v19 =	vmax.f32 v19, v25;
	v25 =	vpop (erf)  }
0x68: {  	v41 =	vmax.f32 v41, v43;
	v39 =	vld.idx.msk [tilespmem:v42+s14+$0x0], $0xffff;
	v28 =	vadd.f32 v55, v28;
	v33 =	vadd.f32 v61, v33;
	v55 =	vpop (erf)  }
0x69: {  	v14 =	vsel vm1, v14, v15;
	v23 =	vld.idx.msk [tilespmem:v23+s14+$0x0], $0xffff;
	v30 =	vadd.f32 v51, v30;
	v25 =	vadd.f32 v25, v31;
	v31 =	vpop (erf)  }
0x6a: {  	vm4 =	vgt.f32 v40, v20;
	v20 =	vmax.f32 v20, v40;
	v28 =	vadd.f32 v31, v28  }
0x6b: {  	v58 =	vmax.f32 v41, v34;
	v30 =	vadd.f32 v63, v30;
	v33 =	vadd.f32 v55, v33;
	v59 =	vpop (erf)  }
0x6c: {  	v53 =	vmax.f32 v13, v36;
	v31 =	vld.idx.msk [tilespmem:v0+s14+$0x0], $0xffff;
	v25 =	vadd.f32 v62, v25;
	v28 =	vadd.f32 v59, v28  }
0x6d: {  	v56 =	vmax.f32 v20, v37;
	v57 =	vmax.f32 v19, v39;
	v60 =	vmax.f32 v53, v32  }
0x6e: {  	p0 =	seq.s32 s25, $0x3;
	v61 =	vmax.f32 v58, v23;
	v25 =	vadd.f32 v30, v25;
	v28 =	vadd.f32 v28, v33  }
0x6f: {  	v10 =	vadd.f32 v17, v10;
	s26 =	smul.u32 @!p0 $0x7D00, s25;
	v63 =	vmax.f32 v60, v57;
	v62 =	vmax.f32 v56, v61  }
0x70: {  	v17 =	vadd.f32 v18, v21;
	v30 =	vmax.f32 v62, v63;
	v15 =	vadd.f32 v25, v28  }
0x71: {  	s28 =	sshll.u32 s25, $0x5;
	v14 =	vsel vm3, v18, v14;
	v10 =	vadd.f32 v22, v10;
	s29 =	sadd.s32 @!p0 s26, s9;
	vm0 =	vge.f32 v31, v30  }
0x72: {  	v21 =	vld.idx.msk [tilespmem:v0+s2+$0x0], $0xffff;
	v18 =	vsel vm4, v22, v27;
	s26 =	sand.u32 $0x3FFFFFE0, s28;
	s28 =	sshrl.u32 @!p0 s29, $0x3;
	v11 =	vadd.f32 v45, v11;
	v15 =	vsel vm0, $0x3F800000, v15  }
0x73: {  	s30 =	simm.s32 @!p0 $0x0;
	v16 =	vadd.f32 v46, v16;
	v17 =	vadd.f32 v49, v17;
	s29 =	sadd.s32 @!p0 s3, s28;
	vm3 =	vgt.f32 v36, v13;
	[tilespmem:s26+$0xFA00] =	vst v15  }
0x74: {  	vm13 =	vgt.f32 v34, v41;
	v10 =	vadd.f32 v48, v10;
	vm1 =	vgt.f32 v39, v19;
	[tilespmem:s30], [sflag:$0x1] =	stream.linear.gather @!p0 [hbm4b:s29+s30], $0x3E80, $0x38;
	[tilespmem:$0xFB00] =	vst v63  }
0x75: {  	s28 =	sadd.s32 @!p0 s4, s28;
	v12 =	vsel vm3, v46, v12;
	v11 =	vadd.f32 v35, v11;
	v13 =	vadd.f32 v24, v16;
	s29 =	simm.s32 @!p0 $0x7D00  }
0x76: {  	v16 =	vsel vm2, v45, v29;
	vm2 =	vgt.f32 v37, v20;
	v15 =	vadd.f32 v44, v17;
	[tilespmem:s29], [sflag:$0x3] =	stream.linear.gather @!p0 [hbm4b:s28+s30], $0x3E80, $0x38;
	[tilespmem:$0xFB00] =	vst v63  }
0x77: {  	vm5 =	vgt.f32 v32, v53;
	v11 =	vadd.f32 v11, v13;
	v13 =	vsel vm13, v49, v14;
	_ =	swait.ge [sflag:s19], $0x3E80  }
0x78: {  	v17 =	vsel vm2, v48, v18;
	vm2 =	vgt.f32 v23, v58;
	v10 =	vadd.f32 v15, v10;
	[sflag:s19] =	ssyncset.done $0x0  }
0x79: {  	v12 =	vsel vm5, v24, v12;
	v13 =	vsel vm2, v44, v13;
	vm2 =	vgt.f32 v61, v56;
	[sflag:s19] =	ssyncadd.s32 $0xFFFFC180  }
0x7a: {  	v10 =	vadd.f32 v11, v10;
	v11 =	vsel vm1, v35, v16;
	vm1 =	vgt.f32 v57, v60;
	_ =	swait.ge [sflag:s20], $0x3E80  }
0x7b: {  	v13 =	vsel vm2, v13, v17;
	v11 =	vsel vm1, v11, v12;
	vm1 =	vgt.f32 v63, v62;
	[sflag:s20] =	ssyncset.done $0x0  }
0x7c: {  	v11 =	vsel vm1, v11, v13;
	[sflag:s20] =	ssyncadd.s32 $0xFFFFC180  }
0x7d: {  	v10 =	vsub.f32 v10, v21;
	v12 =	vmul.f32 $-8.999999760e-01, v11;
	v13 =	vld.idx.msk [tilespmem:v0+s15+$0x0], $0xffff  }
0x7e: {  	v15 =	vld.idx.msk [tilespmem:v9+s15+$0x0], $0xffff  }
0x7f: {  	v10 =	vsub.f32 v10, v11;
	v11 =	vadd.f32 $-1.015658260e+00, v12;
	v12 =	vld.idx.msk [tilespmem:v0+s16+$0x0], $0xffff  }
0x80: {  	v17 =	vld.idx.msk [tilespmem:v9+s16+$0x0], $0xffff  }
0x81: {  	v10 =	vmul.f32 $-1.002003990e-04, v10;
	v14 =	vld.idx.msk [tilespmem:v6+s16+$0x0], $0xffff  }
0x82: {  	v18 =	vld.idx.msk [tilespmem:v5+s16+$0x0], $0xffff  }
0x83: {  	v24 =	vld.idx.msk [tilespmem:v6+s15+$0x0], $0xffff;
	v9 =	vadd.f32 v10, v11  }
0x84: {  	v26 =	vld.idx.msk [tilespmem:v7+s16+$0x0], $0xffff  }
0x85: {  	v20 =	vimm.f32 $-Inf;
	v6 =	vadd.s32 $0x8, v0;
	v5 =	vld.idx.msk [tilespmem:v5+s15+$0x0], $0xffff;
	v9 =	vsel vm0, $0x0, v9  }
0x86: {  	v30 =	vor.u32 $0x7, v6;
	v3 =	vadd.f32 v9, v3;
	v9 =	vimm.f32 $0.0e+00  }
0x87: {  	v11 =	vld.idx.msk [tilespmem:v8+s15+$0x0], $0xffff;
	vm0 =	vgt.f32 v12, v20;
	v16 =	vmul.f32 $1.442695020e+00, v13;
	v21 =	vmul.f32 $1.442695020e+00, v15  }
0x88: {  	v19 =	vld.idx.msk [tilespmem:v4+s16+$0x0], $0xffff;
	v12 =	vmax.f32 v20, v12;
	vm2 =	vgt.f32 v14, v20;
	v27 =	vmax.f32 v20, v18  }
0x89: {  	v8 =	vld.idx.msk [tilespmem:v8+s16+$0x0], $0xffff;
	v22 =	vmax.f32 v20, v14;
	v14 =	vor.u32 $0x6, v6;
	vm14 =	vgt.f32 v18, v20  }
0x8a: {  	vm1 =	vgt.f32 v26, v20;
	v18 =	vmul.f32 $1.442695020e+00, v5;
	v33 =	vmax.f32 v20, v26  }
0x8b: {  	v23 =	vsel vm0, v13, v9;
	v10 =	vadd.f32 v13, v9;
	vm3 =	vgt.f32 v17, v27  }
0x8c: {  	v13 =	vor.u32 $0x3, v6;
	(erf) = vpow2.f32 v16;
	v16 =	vld.idx.msk [tilespmem:v7+s15+$0x0], $0xffff;
	v25 =	vmul.f32 $1.442695020e+00, v11  }
0x8d: {  	vm15 =	vgt.f32 v19, v12;
	v7 =	vmax.f32 v12, v19;
	(erf) = vpow2.f32 v21;
	v21 =	vld.idx.msk [tilespmem:v4+s15+$0x0], $0xffff  }
0x8e: {  	vm0 =	vgt.f32 v8, v22;
	v19 =	vadd.f32 v5, v9;
	(erf) = vpow2.f32 v25  }
0x8f: {  	v35 =	vld.idx.msk [tilespmem:v2+s16+$0x0], $0xffff;
	v5 =	vsel vm14, v5, v9;
	v4 =	vmax.f32 v22, v8;
	v8 =	vmul.f32 $1.442695020e+00, v24  }
0x90: {  	v32 =	vadd.f32 v24, v9;
	v34 =	vsel vm2, v24, v9;
	v22 =	vld.idx.msk [tilespmem:v2+s15+$0x0], $0xffff;
	v2 =	vsel vm3, v15, v5  }
0x91: {  	v24 =	vor.u32 $0x4, v6;
	v5 =	vadd.f32 v15, v19;
	(erf) = vpow2.f32 v8  }
0x92: {  	v15 =	vimm.f32 $0.0e+00;
	v8 =	vmax.f32 v27, v17;
	v20 =	vmul.f32 $1.442695020e+00, v21  }
0x93: {  	v29 =	vld.idx.msk [tilespmem:v6+s16+$0x0], $0xffff;
	v17 =	vimm.f32 $0.0e+00;
	(erf) = vpow2.f32 v18;
	v18 =	vor.u32 $0x1, v6  }
0x94: {  	v19 =	vld.idx.msk [tilespmem:v14+s15+$0x0], $0xffff;
	v25 =	vadd.f32 v16, v9;
	v12 =	vmul.f32 $1.442695020e+00, v16;
	(erf) = vpow2.f32 v20  }
0x95: {  	v27 =	vld.idx.msk [tilespmem:v6+s15+$0x0], $0xffff;
	v31 =	vsel vm15, v21, v23;
	v23 =	vor.u32 $0x2, v6;
	v36 =	vmul.f32 $1.442695020e+00, v22;
	v28 =	vpop (erf)  }
0x96: {  	s28 =	simm.s32 $0x7B;
	v20 =	vimm.f32 $0.0e+00;
	(erf) = vpow2.f32 v12;
	v12 =	vimm.f32 $0.0e+00;
	v26 =	vpop (erf)  }
.LBB2_5:
0x97: {  	p1 =	sne.s32 s28, $0x1;
	s28 =	sadd.s32 $0xFFFFFFFF, s28;
	v34 =	vsel vm0, v11, v34;
	v32 =	vadd.f32 v11, v32;
	(erf) = vpow2.f32 v36;
	v36 =	vpop (erf)  }
0x98: {  	v9 =	vsel vm1, v16, v9;
	vm0 =	vgt.f32 v35, v33;
	v33 =	vmax.f32 v33, v35;
	v37 =	vld.idx.msk [tilespmem:v14+s16+$0x0], $0xffff  }
0x99: {  	v10 =	vadd.f32 v21, v10;
	v35 =	vmul.f32 $1.442695020e+00, v19;
	v9 =	vsel vm0, v22, v9;
	v38 =	vmovc v19;
	v14 =	vld.idx.msk [tilespmem:v13+s16+$0x0], $0xffff  }
0x9a: {  	v16 =	vmul.f32 $1.442695020e+00, v27;
	v25 =	vadd.f32 v22, v25;
	vm0 =	vgt.f32 v29, v7;
	v19 =	vld.idx.msk [tilespmem:v23+s16+$0x0], $0xffff;
	v11 =	vpop (erf)  }
0x9b: {  	v10 =	vadd.f32 v27, v10;
	v31 =	vsel vm0, v27, v31;
	v27 =	vld.idx.msk [tilespmem:v24+s16+$0x0], $0xffff;
	v17 =	vadd.f32 v11, v17  }
0x9c: {  	v20 =	vadd.f32 v28, v20;
	v11 =	vld.idx.msk [tilespmem:v30+s15+$0x0], $0xffff;
	v21 =	vpop (erf)  }
0x9d: {  	v39 =	vor.u32 $0x5, v6;
	v28 =	vld.idx.msk [tilespmem:v30+s16+$0x0], $0xffff;
	v15 =	vadd.f32 v21, v15;
	v17 =	vadd.f32 v36, v17;
	v21 =	vpop (erf)  }
0x9e: {  	v6 =	vadd.s32 $0x8, v6;
	v29 =	vmax.f32 v7, v29;
	v30 =	vld.idx.msk [tilespmem:v13+s15+$0x0], $0xffff;
	(erf) = vpow2.f32 v16  }
0x9f: {  	vm3 =	vgt.f32 v14, v4;
	v20 =	vadd.f32 v21, v20;
	v36 =	vld.idx.msk [tilespmem:v18+s16+$0x0], $0xffff;
	v15 =	vadd.f32 v26, v15;
	v7 =	vpop (erf)  }
0xa0: {  	v4 =	vmax.f32 v4, v14;
	v16 =	vld.idx.msk [tilespmem:v18+s15+$0x0], $0xffff;
	v18 =	vmax.f32 v8, v19;
	v12 =	vadd.f32 v7, v12;
	v13 =	vpop (erf)  }
0xa1: {  	v14 =	vor.u32 $0x6, v6;
	v7 =	vmax.f32 v29, v27;
	v23 =	vld.idx.msk [tilespmem:v23+s15+$0x0], $0xffff;
	(erf) = vpow2.f32 v35  }
0xa2: {  	vm2 =	vgt.f32 v37, v18;
	v21 =	vld.idx.msk [tilespmem:v24+s15+$0x0], $0xffff;
	v24 =	vmul.f32 $1.442695020e+00, v11;
	v12 =	vadd.f32 v13, v12  }
0xa3: {  	v13 =	vor.u32 $0x3, v6;
	vm0 =	vgt.f32 v28, v4;
	v4 =	vmax.f32 v4, v28;
	v22 =	vld.idx.msk [tilespmem:v39+s15+$0x0], $0xffff  }
0xa4: {  	vm4 =	vgt.f32 v19, v8;
	v8 =	vmul.f32 $1.442695020e+00, v30;
	(erf) = vpow2.f32 v24  }
0xa5: {  	vm5 =	vgt.f32 v27, v29;
	v32 =	vadd.f32 v30, v32;
	vm1 =	vgt.f32 v36, v33  }
0xa6: {  	v34 =	vsel vm3, v30, v34;
	v25 =	vadd.f32 v16, v25;
	v40 =	vmul.f32 $1.442695020e+00, v16  }
0xa7: {  	v5 =	vadd.f32 v23, v5;
	v24 =	vmul.f32 $1.442695020e+00, v23;
	v27 =	vld.idx.msk [tilespmem:v6+s15+$0x0], $0xffff;
	v28 =	vpop (erf);
	(erf) = vpow2.f32 v8  }
.Ltmp3:
0xa8: {  	v33 =	vmax.f32 v33, v36;
	v2 =	vsel vm4, v23, v2;
	v30 =	vmul.f32 $1.442695020e+00, v21;
	v35 =	vld.idx.msk [tilespmem:v39+s16+$0x0], $0xffff;
	(pc) =	sbr.rel @p1 .LBB2_5-.Ltmp3, $4  }
0xa9: {  	v31 =	vsel vm5, v21, v31;
	v8 =	vmax.f32 v18, v37;
	v19 =	vld.idx.msk [tilespmem:v14+s15+$0x0], $0xffff;
	(erf) = vpow2.f32 v24  }
0xaa: {  	v23 =	vor.u32 $0x2, v6;
	v18 =	vor.u32 $0x1, v6;
	v29 =	vld.idx.msk [tilespmem:v6+s16+$0x0], $0xffff;
	(erf) = vpow2.f32 v30;
	v26 =	vpop (erf)  }
0xab: {  	v2 =	vsel vm2, v38, v2;
	v36 =	vmul.f32 $1.442695020e+00, v22;
	v5 =	vadd.f32 v38, v5  }
0xac: {  	v24 =	vor.u32 $0x4, v6;
	v30 =	vor.u32 $0x7, v6;
	(erf) = vpow2.f32 v40  }
0xad: {  	_ =	sdelay $0x3  }
0xae: {  	v37 =	vld.idx.msk [tilespmem:v13+s16+$0x0], $0xffff  }
0xaf: {  	v9 =	vsel vm1, v16, v9;
	v16 =	vld.idx.msk [tilespmem:v23+s16+$0x0], $0xffff  }
0xb0: {  	v10 =	vadd.f32 v21, v10;
	v21 =	vld.idx.msk [tilespmem:v24+s16+$0x0], $0xffff  }
0xb1: {  	vm7 =	vgt.f32 v35, v33;
	v33 =	vmax.f32 v33, v35;
	v35 =	vld.idx.msk [tilespmem:v30+s15+$0x0], $0xffff  }
0xb2: {  	v46 =	vld.idx.msk [tilespmem:v13+s15+$0x0], $0xffff  }
0xb3: {  	v34 =	vsel vm0, v11, v34;
	v11 =	vadd.f32 v11, v32;
	(erf) = vpow2.f32 v36;
	v49 =	vld.idx.msk [tilespmem:v23+s15+$0x0], $0xffff  }
0xb4: {  	v43 =	vadd.f32 v22, v25;
	v47 =	vmul.f32 $1.442695020e+00, v27;
	v20 =	vadd.f32 v28, v20;
	v50 =	vld.idx.msk [tilespmem:v24+s15+$0x0], $0xffff  }
0xb5: {  	v42 =	vpop (erf);
	v6 =	vor.u32 $0x5, v6;
	v53 =	vld.idx.msk [tilespmem:v18+s15+$0x0], $0xffff;
	v9 =	vsel vm7, v22, v9;
	v45 =	vmul.f32 $1.442695020e+00, v19  }
0xb6: {  	v58 =	vld.idx.msk [tilespmem:v18+s16+$0x0], $0xffff;
	vm8 =	vgt.f32 v29, v7;
	v10 =	vadd.f32 v27, v10;
	v52 =	vmax.f32 v7, v29;
	v44 =	vpop (erf)  }
0xb7: {  	v31 =	vsel vm8, v27, v31;
	v17 =	vadd.f32 v44, v17;
	vm9 =	vgt.f32 v37, v4  }
0xb8: {  	v14 =	vld.idx.msk [tilespmem:v14+s16+$0x0], $0xffff;
	v54 =	vmul.f32 $1.442695020e+00, v35;
	v56 =	vmax.f32 v8, v16;
	v57 =	vmul.f32 $1.442695020e+00, v46  }
0xb9: {  	v55 =	vld.idx.msk [tilespmem:v30+s16+$0x0], $0xffff;
	v4 =	vmax.f32 v4, v37;
	v60 =	vmul.f32 $1.442695020e+00, v49;
	v62 =	vmul.f32 $1.442695020e+00, v50  }
0xba: {  	v40 =	vmax.f32 v52, v21;
	v41 =	vmul.f32 $1.442695020e+00, v53;
	vm3 =	vgt.f32 v16, v8  }
0xbb: {  	v48 =	vpop (erf);
	vm4 =	vgt.f32 v58, v33;
	vm5 =	vgt.f32 v21, v52;
	v43 =	vadd.f32 v53, v43  }
0xbc: {  	v5 =	vadd.f32 v49, v5;
	v10 =	vadd.f32 v50, v10;
	v51 =	vpop (erf);
	(erf) = vpow2.f32 v47  }
0xbd: {  	v18 =	vmax.f32 v33, v58;
	v15 =	vadd.f32 v48, v15;
	v17 =	vadd.f32 v42, v17  }
0xbe: {  	v61 =	vld.idx.msk [tilespmem:v6+s15+$0x0], $0xffff;
	vm10 =	vgt.f32 v14, v56;
	vm2 =	vgt.f32 v55, v4;
	(erf) = vpow2.f32 v45  }
0xbf: {  	v4 =	vmax.f32 v4, v55;
	v42 =	vadd.f32 v46, v11;
	v59 =	vpop (erf);
	(erf) = vpow2.f32 v54  }
0xc0: {  	v13 =	vsel vm9, v46, v34;
	v2 =	vsel vm3, v49, v2;
	(erf) = vpow2.f32 v57  }
0xc1: {  	v21 =	vsel vm5, v50, v31;
	v47 =	vmax.f32 v56, v14;
	(erf) = vpow2.f32 v60  }
0xc2: {  	v9 =	vsel vm4, v53, v9;
	v20 =	vadd.f32 v51, v20;
	v63 =	vpop (erf);
	(erf) = vpow2.f32 v62  }
0xc3: {  	v6 =	vld.idx.msk [tilespmem:v6+s16+$0x0], $0xffff;
	v5 =	vadd.f32 v19, v5;
	v44 =	vmul.f32 $1.442695020e+00, v61;
	(erf) = vpow2.f32 v41  }
0xc4: {  	v2 =	vsel vm10, v19, v2;
	v8 =	vadd.f32 v35, v42;
	v7 =	vadd.f32 v61, v43  }
0xc5: {  	v52 =	vld.idx.msk [tilespmem:v0+s15+$0x0], $0xffff;
	v13 =	vsel vm2, v35, v13;
	vm13 =	vgt.f32 v4, v47;
	v45 =	vpop (erf);
	(erf) = vpow2.f32 v44  }
0xc6: {  	v4 =	vmax.f32 v47, v4;
	v5 =	vadd.f32 v8, v5;
	v7 =	vadd.f32 v7, v10  }
0xc7: {  	v15 =	vadd.f32 v26, v15;
	v2 =	vsel vm13, v13, v2;
	v12 =	vadd.f32 v59, v12;
	v46 =	vpop (erf)  }
0xc8: {  	vm11 =	vgt.f32 v6, v18;
	v6 =	vmax.f32 v18, v6;
	v5 =	vadd.f32 v5, v7;
	v48 =	vpop (erf)  }
0xc9: {  	v54 =	vsel vm11, v61, v9;
	vm12 =	vgt.f32 v6, v40;
	v6 =	vmax.f32 v40, v6;
	v49 =	vpop (erf)  }
0xca: {  	v57 =	vsel vm12, v54, v21;
	vm14 =	vgt.f32 v4, v6;
	v5 =	vsub.f32 v5, v52;
	v50 =	vpop (erf)  }
0xcb: {  	v12 =	vadd.f32 v63, v12;
	v2 =	vsel vm14, v2, v57;
	v16 =	vadd.f32 v45, v20;
	v51 =	vpop (erf)  }
0xcc: {  	v62 =	vmul.f32 $-8.999999760e-01, v2;
	v2 =	vsub.f32 v5, v2;
	v17 =	vadd.f32 v49, v17;
	v53 =	vpop (erf)  }
0xcd: {  	v15 =	vadd.f32 v50, v15;
	v56 =	vadd.f32 v53, v12  }
0xce: {  	v61 =	vld.idx.msk [tilespmem:v0+s16+$0x0], $0xffff;
	v55 =	vadd.f32 v48, v17;
	v59 =	vadd.f32 v51, v16;
	v58 =	vpop (erf)  }
0xcf: {  	v60 =	vadd.f32 v46, v15;
	v8 =	vadd.f32 v58, v56  }
0xd0: {  	v63 =	vadd.f32 $-1.015658260e+00, v62;
	v2 =	vmul.f32 $-1.002003990e-04, v2  }
0xd1: {  	v7 =	vadd.f32 v55, v60;
	v5 =	vadd.f32 v8, v59  }
.Ltmp4:
0xd2: {  	v4 =	vmax.f32 v6, v4;
	v2 =	vadd.f32 v2, v63;
	(pc) =	sbr.rel @p0 .LBB2_8-.Ltmp4, $4  }
0xd3: {  	vm15 =	vge.f32 v61, v4;
	v5 =	vadd.f32 v7, v5  }
0xd4: {  	v2 =	vsel vm15, $0x0, v2  }
0xd5: {  	v3 =	vadd.f32 v2, v3;
	v4 =	vsel vm15, $0x3F800000, v5  }
0xd6: {  	[tilespmem:s26+$0xFA10] =	vst v4  }
0xd7: {  	s26 =	smul.u32 $0x7D00, s25;
	_ =	sdelay $0x1  }
0xd8: {  	s26 =	sadd.s32 s26, s10  }
.Ltmp5:
0xd9: {  	s26 =	sshrl.u32 s26, $0x3;
	(pc) =	sbr.rel .LBB2_2-.Ltmp5, $4  }
0xda: {  	s28 =	sadd.s32 s3, s26  }
0xdb: {  	[tilespmem:s15], [sflag:$0x2] =	stream.linear.gather [hbm4b:s28+s2], $0x3E80, $0x38;
	[tilespmem:$0xFB00] =	vst v63  }
0xdc: {  	s25 =	sadd.s32 $0x1, s25;
	s26 =	sadd.s32 s4, s26  }
0xdd: {  	[tilespmem:s16], [sflag:$0x4] =	stream.linear.gather [hbm4b:s26+s2], $0x3E80, $0x38;
	[tilespmem:$0xFB00] =	vst v63  }
.LBB2_9:
0xde: {  	_ =	sfence.sel $0x180000  }
0xdf: {  	[bflag:$0x0] =	sbarrier.arrive $0xFFFF  }
0xe0: {  	p0 =	sne.s32 s1, $0x0;
	_ =	strace $0x90000047  }
0xe1: {  	s0 =	sadd.s32 @!p0 $0x100000, s0;
	[bflag:$0x2] =	sbarrier.arrive $0xFFFF  }
0xe2: {  	[sflag:s0] =	ssyncadd.tile.s32 @!p0 $0x1;
	_ =	shalt  }
.Lfunc_end2:
_tile_overlayer_lowered:
.L_overlay_start_2:
0xe3: {  	(tag) =	ssettag $0x2  }
0xe4: {  	s0 =	rddreg [dreg:$0x0];
	s2 =	stileid.u32  }
0xe5: {  	s1 =	rddreg [dreg:$0x1];
	p0 =	sne.s32 s2, $0x0  }
0xe6: {  	s3 =	rddreg [dreg:$0x2];
	[bflag:$0x3] =	sbarrier.arrive $0xFFFF;
	s2 =	simm.s32 @!p0 $0x1C05  }
0xe7: {  	[timem:s3], [sflag:s2] =	dma.local @!p0 [hbm:s0], s1  }
0xe8: {  	s0 =	simm.s32 @!p0 $0x5  }
0xe9: {  	_ =	swait.ge @!p0 [sflag:s0], s1  }
0xea: {  	s1 =	ssub.s32 @!p0 $0x0, s1;
	[sflag:s0] =	ssyncset.done @!p0 $0x0  }
0xeb: {  	[sflag:s0] =	ssyncadd.s32 @!p0 s1  }
0xec: {  	[bflag:$0x3] =	sbarrier.arrive $0xFFFF  }
0xed: {  	_ =	shalt  }

</sc_bundles>
